<compile_context>
chip_gen: v7x
topology: tpu7x:2x2x1
jax: 0.10.2.dev20260603
libtpu: 0.0.44.dev20260713+nightly
codegen_flags: <defaults>
</compile_context>

<pallas_src>
import functools

import jax
import jax.numpy as jnp
from jax import lax
from jax.experimental import pallas as pl
from jax.experimental.pallas import tpu as pltpu
from jax.experimental.pallas import tpu_sc as plsc

_N_CLASSES = 19
_NC, _NS, _L = 2, 16, 16
_NW = _NC * _NS
_BINS = _N_CLASSES * _L


def _sc_hist_body(t_hbm, out_hbm, chunk_v, bins_v):
    wid = lax.axis_index("s") * _NC + lax.axis_index("c")
    rows, cols = chunk_v.shape
    quarters = t_hbm.shape[1] // rows
    b = wid // quarters
    q = wid % quarters

    zeros = jnp.zeros((_L,), jnp.float32)
    for i in range(_BINS // _L):
        bins_v[pl.ds(i * _L, _L)] = zeros

    pltpu.sync_copy(t_hbm.at[b, pl.ds(q * rows, rows)], chunk_v)

    lanes = lax.iota(jnp.int32, _L)
    ones = jnp.ones((_L,), jnp.float32)

    def step(i, carry):
        for u in range(cols // _L):
            v = chunk_v[i, pl.ds(u * _L, _L)]
            plsc.addupdate_scatter(bins_v, [v * _L + lanes], ones)
        return carry

    lax.fori_loop(0, rows, step, 0)

    pltpu.sync_copy(bins_v, out_hbm.at[pl.ds(wid * _BINS, _BINS)])


def _sc_hist(target):
    b_dim, h_dim, w_dim = target.shape
    rows = (b_dim * h_dim) // _NW
    mesh = plsc.VectorSubcoreMesh(
        core_axis_name="c", subcore_axis_name="s",
        num_cores=_NC, num_subcores=_NS)
    return pl.kernel(
        _sc_hist_body,
        out_type=jax.ShapeDtypeStruct((_NW * _BINS,), jnp.float32),
        mesh=mesh,
        scratch_types=[
            pltpu.VMEM((rows, w_dim), jnp.int32),
            pltpu.VMEM((_BINS,), jnp.float32),
        ],
        compiler_params=pltpu.CompilerParams(needs_layout_passes=False),
    )(target)


def _tc_body(x_ref, t_ref, acc_ref):
    @pl.when((pl.program_id(0) == 0) & (pl.program_id(1) == 0))
    def _init():
        acc_ref[...] = jnp.zeros_like(acc_ref)

    t = t_ref[0]
    c_dim = x_ref.shape[1]
    bh = t.shape[0]
    ones = jnp.ones((1, bh), dtype=jnp.float32)
    dot = functools.partial(
        jax.lax.dot_general,
        dimension_numbers=(((1,), (0,)), ((), ())),
        preferred_element_type=jnp.float32,
    )

    m = x_ref[0, 0]
    for c in range(1, c_dim):
        m = jnp.maximum(m, x_ref[0, c])

    s = jnp.zeros_like(m)
    for c in range(c_dim):
        xc = x_ref[0, c]
        s = s + jnp.exp(xc - m)
        eqf = (t == c).astype(jnp.float32)
        fnv = eqf * (xc < m).astype(jnp.float32)
        gxv = eqf * xc
        acc_ref[0, c] += dot(ones, fnv)[0]
        acc_ref[1, c] += dot(ones, gxv)[0]

    lse = m + jnp.log(s)
    for c in range(c_dim):
        eqf = (t == c).astype(jnp.float32)
        acc_ref[2, c] += dot(ones, eqf * lse)[0]


@jax.jit
def kernel(input, target):
    b_dim, c_dim, h_dim, w_dim = input.shape
    bh = 256
    gt_parts = _sc_hist(target)
    acc = pl.pallas_call(
        _tc_body,
        grid=(b_dim, h_dim // bh),
        in_specs=[
            pl.BlockSpec((1, c_dim, bh, w_dim), lambda b, h: (b, 0, h, 0)),
            pl.BlockSpec((1, bh, w_dim), lambda b, h: (b, h, 0)),
        ],
        out_specs=pl.BlockSpec((3, c_dim, w_dim), lambda b, h: (0, 0, 0)),
        out_shape=jax.ShapeDtypeStruct((3, c_dim, w_dim), jnp.float32),
    )(input, target)
    gt = jnp.sum(gt_parts.reshape(_NW, _N_CLASSES, _L), axis=(0, 2))
    fn = jnp.sum(acc[0], axis=-1)
    gx = jnp.sum(acc[1], axis=-1)
    lse = jnp.sum(acc[2], axis=-1)
    ces = lse - gx
    weight = jnp.where(fn > 0, fn, 1.0) / jnp.where(gt > 0, gt, 1.0)
    return jnp.sum(weight * ces) / (b_dim * h_dim * w_dim)

# --- scband reference (transcript-rebuilt; emitter-appended) ---
"""Pipeline reference for scband-recall-cross-entropy-42855183679679 (READ-ONLY COPY).

The authoritative reference and input builder live on the scoring server;
editing this copy changes nothing except your own understanding.
"""

import jax, jax.numpy as jnp
import numpy as np

N_CLASSES = 19
IGNORE_INDEX = 255


def setup_inputs(seed: int = 0) -> dict:
    key = jax.random.key(seed)
    k1, k2 = jax.random.split(key)
    inp = jax.random.normal(k1, (8, N_CLASSES, 512, 512), dtype=jnp.float32)
    target = jax.random.randint(k2, (8, 512, 512), 0, N_CLASSES)
    return {"input": inp, "target": target}


def reference(input, target):
    # pred = input.argmax(1)
    pred = jnp.argmax(input, axis=1)
    idex = (pred != target).reshape(-1)
    tflat = target.reshape(-1)

    # gt_counter: count of each class in target (ones where a class is absent).
    # Equivalent to torch.unique(return_counts=True) + scatter into ones vector,
    # given targets contain no ignore_index values.
    gt_count = jnp.bincount(tflat, length=N_CLASSES).astype(jnp.float32)
    gt_counter = jnp.where(gt_count > 0, gt_count, 1.0)

    # fn_counter: count of false-negative pixels per class (ones where absent).
    fn_count = jnp.bincount(tflat, weights=idex.astype(jnp.float32), length=N_CLASSES)
    fn_counter = jnp.where(fn_count > 0, fn_count, 1.0)

    weight = fn_counter / gt_counter

    # F.cross_entropy(input, target, reduction='none') over class dim 1
    logits = jnp.moveaxis(input, 1, -1)  # [B, H, W, C]
    lse = jax.nn.logsumexp(logits, axis=-1)
    gathered = jnp.take_along_axis(logits, target[..., None], axis=-1)[..., 0]
    ce = lse - gathered

    loss = weight[target] * ce
    return loss.mean()

if __name__ == "__main__":
    import jax
    _d = setup_inputs()
    print(jax.jit(kernel)(*tuple(_d.values())))

</pallas_src>

<mosaic_0001>
#map = affine_map<(d0, d1) -> (0, 0, 0)>
#map1 = affine_map<(d0, d1) -> (0)>
module attributes {stable_mosaic.version = 14 : i64} {
  func.func @_sc_hist_body(%arg0: i32, %arg1: i32, %arg2: memref<8x512x512xi32, #tpu.memory_space<hbm>>, %arg3: memref<9728xf32, #tpu.memory_space<hbm>>, %arg4: memref<128x512xi32, #tpu.memory_space<vmem>>, %arg5: memref<304xf32, #tpu.memory_space<vmem>>) attributes {dimension_semantics = [#tpu.dimension_semantics<core_parallel>, #tpu.dimension_semantics<subcore_parallel>], iteration_bounds = array<i64: 2, 16>, scalar_prefetch = 0 : i64, scratch_operands = 2 : i64, tpu.core_type = #tpu.core_type<sc_vector_subcore>, window_params = [{transform_indices = #map}, {transform_indices = #map1}]} {
    %mul3A = arith.constant 2 : i32
    %mul3A_0 = arith.muli %arg1, %mul3A : i32
    %add3A = arith.addi %mul3A_0, %arg0 : i32
    %jit3A = arith.constant 4 : i32
    %div3A = arith.divsi %add3A, %jit3A : i32
    %sign3A = arith.constant 0 : i32
    %sign3A_1 = arith.cmpi sgt, %add3A, %sign3A : i32
    %sign3A_2 = arith.extui %sign3A_1 : i1 to i32
    %sign3A_3 = arith.constant 0 : i32
    %sign3A_4 = arith.cmpi slt, %add3A, %sign3A_3 : i32
    %sign3A_5 = arith.extui %sign3A_4 : i1 to i32
    %sign3A_6 = arith.subi %sign3A_2, %sign3A_5 : i32
    %sign3A_7 = arith.constant 0 : i32
    %sign3A_8 = arith.cmpi sgt, %jit3A, %sign3A_7 : i32
    %sign3A_9 = arith.extui %sign3A_8 : i1 to i32
    %sign3A_10 = arith.constant 0 : i32
    %sign3A_11 = arith.cmpi slt, %jit3A, %sign3A_10 : i32
    %sign3A_12 = arith.extui %sign3A_11 : i1 to i32
    %sign3A_13 = arith.subi %sign3A_9, %sign3A_12 : i32
    %ne3A = arith.cmpi ne, %sign3A_6, %sign3A_13 : i32
    %rem3A = arith.remsi %add3A, %jit3A : i32
    %ne3A_14 = arith.constant 0 : i32
    %ne3A_15 = arith.cmpi ne, %rem3A, %ne3A_14 : i32
    %and3A = arith.andi %ne3A, %ne3A_15 : i1
    %sub3A = arith.constant 1 : i32
    %sub3A_16 = arith.subi %div3A, %sub3A : i32
    %select_n3A = arith.select %and3A, %sub3A_16, %div3A : i32
    %jit3A_17 = arith.constant 4 : i32
    %eq3A = arith.constant 0 : i32
    %eq3A_18 = arith.cmpi eq, %jit3A_17, %eq3A : i32
    %jit3A_19 = arith.constant 1 : i32
    %select_n3A_20 = arith.select %eq3A_18, %jit3A_19, %jit3A_17 : i32
    %rem3A_21 = arith.remsi %add3A, %select_n3A_20 : i32
    %ne3A_22 = arith.constant 0 : i32
    %ne3A_23 = arith.cmpi ne, %rem3A_21, %ne3A_22 : i32
    %lt3A = arith.constant 0 : i32
    %lt3A_24 = arith.cmpi slt, %rem3A_21, %lt3A : i32
    %lt3A_25 = arith.constant 0 : i32
    %lt3A_26 = arith.cmpi slt, %select_n3A_20, %lt3A_25 : i32
    %ne3A_27 = arith.xori %lt3A_24, %lt3A_26 : i1
    %and3A_28 = arith.andi %ne3A_27, %ne3A_23 : i1
    %add3A_29 = arith.addi %rem3A_21, %select_n3A_20 : i32
    %select_n3A_30 = arith.select %and3A_28, %add3A_29, %rem3A_21 : i32
    %broadcast_in_dim3A = arith.constant 0.000000e+00 : f32
    %broadcast_in_dim3A_31 = vector.broadcast %broadcast_in_dim3A : f32 to vector<16xf32>
    %swap3A = arith.constant 0 : index
    %swap3A_32 = tpu.vector_load %arg5[%swap3A] {strides = array<i32>} : memref<304xf32, #tpu.memory_space<vmem>>, vector<16xf32>,
    tpu.vector_store %arg5[%swap3A], %broadcast_in_dim3A_31 {strides = array<i32>} : memref<304xf32, #tpu.memory_space<vmem>>, vector<16xf32>,
    %swap3A_33 = arith.constant 16 : index
    %swap3A_34 = tpu.vector_load %arg5[%swap3A_33] {strides = array<i32>} : memref<304xf32, #tpu.memory_space<vmem>>, vector<16xf32>,
    tpu.vector_store %arg5[%swap3A_33], %broadcast_in_dim3A_31 {strides = array<i32>} : memref<304xf32, #tpu.memory_space<vmem>>, vector<16xf32>,
    %swap3A_35 = arith.constant 32 : index
    %swap3A_36 = tpu.vector_load %arg5[%swap3A_35] {strides = array<i32>} : memref<304xf32, #tpu.memory_space<vmem>>, vector<16xf32>,
    tpu.vector_store %arg5[%swap3A_35], %broadcast_in_dim3A_31 {strides = array<i32>} : memref<304xf32, #tpu.memory_space<vmem>>, vector<16xf32>,
    %swap3A_37 = arith.constant 48 : index
    %swap3A_38 = tpu.vector_load %arg5[%swap3A_37] {strides = array<i32>} : memref<304xf32, #tpu.memory_space<vmem>>, vector<16xf32>,
    tpu.vector_store %arg5[%swap3A_37], %broadcast_in_dim3A_31 {strides = array<i32>} : memref<304xf32, #tpu.memory_space<vmem>>, vector<16xf32>,
    %swap3A_39 = arith.constant 64 : index
    %swap3A_40 = tpu.vector_load %arg5[%swap3A_39] {strides = array<i32>} : memref<304xf32, #tpu.memory_space<vmem>>, vector<16xf32>,
    tpu.vector_store %arg5[%swap3A_39], %broadcast_in_dim3A_31 {strides = array<i32>} : memref<304xf32, #tpu.memory_space<vmem>>, vector<16xf32>,
    %swap3A_41 = arith.constant 80 : index
    %swap3A_42 = tpu.vector_load %arg5[%swap3A_41] {strides = array<i32>} : memref<304xf32, #tpu.memory_space<vmem>>, vector<16xf32>,
    tpu.vector_store %arg5[%swap3A_41], %broadcast_in_dim3A_31 {strides = array<i32>} : memref<304xf32, #tpu.memory_space<vmem>>, vector<16xf32>,
    %swap3A_43 = arith.constant 96 : index
    %swap3A_44 = tpu.vector_load %arg5[%swap3A_43] {strides = array<i32>} : memref<304xf32, #tpu.memory_space<vmem>>, vector<16xf32>,
    tpu.vector_store %arg5[%swap3A_43], %broadcast_in_dim3A_31 {strides = array<i32>} : memref<304xf32, #tpu.memory_space<vmem>>, vector<16xf32>,
    %swap3A_45 = arith.constant 112 : index
    %swap3A_46 = tpu.vector_load %arg5[%swap3A_45] {strides = array<i32>} : memref<304xf32, #tpu.memory_space<vmem>>, vector<16xf32>,
    tpu.vector_store %arg5[%swap3A_45], %broadcast_in_dim3A_31 {strides = array<i32>} : memref<304xf32, #tpu.memory_space<vmem>>, vector<16xf32>,
    %swap3A_47 = arith.constant 128 : index
    %swap3A_48 = tpu.vector_load %arg5[%swap3A_47] {strides = array<i32>} : memref<304xf32, #tpu.memory_space<vmem>>, vector<16xf32>,
    tpu.vector_store %arg5[%swap3A_47], %broadcast_in_dim3A_31 {strides = array<i32>} : memref<304xf32, #tpu.memory_space<vmem>>, vector<16xf32>,
    %swap3A_49 = arith.constant 144 : index
    %swap3A_50 = tpu.vector_load %arg5[%swap3A_49] {strides = array<i32>} : memref<304xf32, #tpu.memory_space<vmem>>, vector<16xf32>,
    tpu.vector_store %arg5[%swap3A_49], %broadcast_in_dim3A_31 {strides = array<i32>} : memref<304xf32, #tpu.memory_space<vmem>>, vector<16xf32>,
    %swap3A_51 = arith.constant 160 : index
    %swap3A_52 = tpu.vector_load %arg5[%swap3A_51] {strides = array<i32>} : memref<304xf32, #tpu.memory_space<vmem>>, vector<16xf32>,
    tpu.vector_store %arg5[%swap3A_51], %broadcast_in_dim3A_31 {strides = array<i32>} : memref<304xf32, #tpu.memory_space<vmem>>, vector<16xf32>,
    %swap3A_53 = arith.constant 176 : index
    %swap3A_54 = tpu.vector_load %arg5[%swap3A_53] {strides = array<i32>} : memref<304xf32, #tpu.memory_space<vmem>>, vector<16xf32>,
    tpu.vector_store %arg5[%swap3A_53], %broadcast_in_dim3A_31 {strides = array<i32>} : memref<304xf32, #tpu.memory_space<vmem>>, vector<16xf32>,
    %swap3A_55 = arith.constant 192 : index
    %swap3A_56 = tpu.vector_load %arg5[%swap3A_55] {strides = array<i32>} : memref<304xf32, #tpu.memory_space<vmem>>, vector<16xf32>,
    tpu.vector_store %arg5[%swap3A_55], %broadcast_in_dim3A_31 {strides = array<i32>} : memref<304xf32, #tpu.memory_space<vmem>>, vector<16xf32>,
    %swap3A_57 = arith.constant 208 : index
    %swap3A_58 = tpu.vector_load %arg5[%swap3A_57] {strides = array<i32>} : memref<304xf32, #tpu.memory_space<vmem>>, vector<16xf32>,
    tpu.vector_store %arg5[%swap3A_57], %broadcast_in_dim3A_31 {strides = array<i32>} : memref<304xf32, #tpu.memory_space<vmem>>, vector<16xf32>,
    %swap3A_59 = arith.constant 224 : index
    %swap3A_60 = tpu.vector_load %arg5[%swap3A_59] {strides = array<i32>} : memref<304xf32, #tpu.memory_space<vmem>>, vector<16xf32>,
    tpu.vector_store %arg5[%swap3A_59], %broadcast_in_dim3A_31 {strides = array<i32>} : memref<304xf32, #tpu.memory_space<vmem>>, vector<16xf32>,
    %swap3A_61 = arith.constant 240 : index
    %swap3A_62 = tpu.vector_load %arg5[%swap3A_61] {strides = array<i32>} : memref<304xf32, #tpu.memory_space<vmem>>, vector<16xf32>,
    tpu.vector_store %arg5[%swap3A_61], %broadcast_in_dim3A_31 {strides = array<i32>} : memref<304xf32, #tpu.memory_space<vmem>>, vector<16xf32>,
    %swap3A_63 = arith.constant 256 : index
    %swap3A_64 = tpu.vector_load %arg5[%swap3A_63] {strides = array<i32>} : memref<304xf32, #tpu.memory_space<vmem>>, vector<16xf32>,
    tpu.vector_store %arg5[%swap3A_63], %broadcast_in_dim3A_31 {strides = array<i32>} : memref<304xf32, #tpu.memory_space<vmem>>, vector<16xf32>,
    %swap3A_65 = arith.constant 272 : index
    %swap3A_66 = tpu.vector_load %arg5[%swap3A_65] {strides = array<i32>} : memref<304xf32, #tpu.memory_space<vmem>>, vector<16xf32>,
    tpu.vector_store %arg5[%swap3A_65], %broadcast_in_dim3A_31 {strides = array<i32>} : memref<304xf32, #tpu.memory_space<vmem>>, vector<16xf32>,
    %swap3A_67 = arith.constant 288 : index
    %swap3A_68 = tpu.vector_load %arg5[%swap3A_67] {strides = array<i32>} : memref<304xf32, #tpu.memory_space<vmem>>, vector<16xf32>,
    tpu.vector_store %arg5[%swap3A_67], %broadcast_in_dim3A_31 {strides = array<i32>} : memref<304xf32, #tpu.memory_space<vmem>>, vector<16xf32>,
    %mul3A_69 = arith.constant 128 : i32
    %mul3A_70 = arith.muli %select_n3A_30, %mul3A_69 : i32
    "tpu.region"() ({
      %run_scoped3A = tpu.sem_alloc : memref<!tpu.dma_semaphore, #tpu.memory_space<semaphore_mem>>
      %dma_start3A = arith.constant 0 : i32
      %dma_start3A_80 = tpu.memref_slice %arg2[%select_n3A, %mul3A_70, %dma_start3A] : memref<8x512x512xi32, #tpu.memory_space<hbm>> -> memref<1x128x512xi32, #tpu.memory_space<hbm>>
      %dma_start3A_81 = tpu.memref_squeeze %dma_start3A_80 : memref<1x128x512xi32, #tpu.memory_space<hbm>> -> memref<128x512xi32, #tpu.memory_space<hbm>>
      %dma_start3A_82 = arith.constant 0 : i32
      %dma_start3A_83 = tpu.memref_slice %arg2[%select_n3A, %mul3A_70, %dma_start3A_82] : memref<8x512x512xi32, #tpu.memory_space<hbm>> -> memref<1x128x512xi32, #tpu.memory_space<hbm>>
      %dma_start3A_84 = tpu.memref_squeeze %dma_start3A_83 : memref<1x128x512xi32, #tpu.memory_space<hbm>> -> memref<128x512xi32, #tpu.memory_space<hbm>>
      tpu.enqueue_dma source(%dma_start3A_84 : memref<128x512xi32, #tpu.memory_space<hbm>>) target(%arg4 : memref<128x512xi32, #tpu.memory_space<vmem>>) target_semaphore(%run_scoped3A : memref<!tpu.dma_semaphore, #tpu.memory_space<semaphore_mem>>)
      %dma_wait3A = arith.constant 0 : i32
      %dma_wait3A_85 = tpu.memref_slice %arg2[%select_n3A, %mul3A_70, %dma_wait3A] : memref<8x512x512xi32, #tpu.memory_space<hbm>> -> memref<1x128x512xi32, #tpu.memory_space<hbm>>
      %dma_wait3A_86 = tpu.memref_squeeze %dma_wait3A_85 : memref<1x128x512xi32, #tpu.memory_space<hbm>> -> memref<128x512xi32, #tpu.memory_space<hbm>>
      %dma_wait3A_87 = arith.constant 0 : i32
      %dma_wait3A_88 = tpu.memref_slice %arg2[%select_n3A, %mul3A_70, %dma_wait3A_87] : memref<8x512x512xi32, #tpu.memory_space<hbm>> -> memref<1x128x512xi32, #tpu.memory_space<hbm>>
      %dma_wait3A_89 = tpu.memref_squeeze %dma_wait3A_88 : memref<1x128x512xi32, #tpu.memory_space<hbm>> -> memref<128x512xi32, #tpu.memory_space<hbm>>
      tpu.wait_dma2 semaphore(%run_scoped3A : memref<!tpu.dma_semaphore, #tpu.memory_space<semaphore_mem>>) src(%dma_wait3A_89 : memref<128x512xi32, #tpu.memory_space<hbm>>) dst(%arg4 : memref<128x512xi32, #tpu.memory_space<vmem>>)
      tpu.yield
    }) : () -> ()
    %iota3A = tpu.iota {dimensions = array<i32: 0>} : vector<16xi32>
    %broadcast_in_dim3A_71 = arith.constant 1.000000e+00 : f32
    %broadcast_in_dim3A_72 = vector.broadcast %broadcast_in_dim3A_71 : f32 to vector<16xf32>
    %scan3A = arith.constant 0 : i32
    %scan3A_73 = arith.constant 0 : i32
    %scan3A_74 = arith.constant 128 : i32
    %scan3A_75 = arith.addi %scan3A_73, %scan3A_74 : i32
    %scan3A_76 = arith.constant 1 : i32
    scf.for %scan3A_80 = %scan3A_73 to %scan3A_75 step %scan3A_76  : i32 {
      %get3A = arith.index_cast %scan3A_80 : i32 to index
      %get3A_81 = arith.constant 0 : index
      %get3A_82 = tpu.vector_load %arg4[%get3A, %get3A_81] {strides = array<i32>} : memref<128x512xi32, #tpu.memory_space<vmem>>, vector<16xi32>,
      %mul3A_83 = arith.constant 16 : i32
      %mul3A_84 = vector.broadcast %mul3A_83 : i32 to vector<16xi32>
      %mul3A_85 = arith.muli %get3A_82, %mul3A_84 : vector<16xi32>
      %add3A_86 = arith.addi %mul3A_85, %iota3A : vector<16xi32>
      tpu.vector_store_idx %arg5[%add3A_86], %broadcast_in_dim3A_72 {add = true} : memref<304xf32, #tpu.memory_space<vmem>>[vector<16xi32>], vector<16xf32>,
      %get3A_87 = arith.index_cast %scan3A_80 : i32 to index
      %get3A_88 = arith.constant 16 : index
      %get3A_89 = tpu.vector_load %arg4[%get3A_87, %get3A_88] {strides = array<i32>} : memref<128x512xi32, #tpu.memory_space<vmem>>, vector<16xi32>,
      %mul3A_90 = arith.constant 16 : i32
      %mul3A_91 = vector.broadcast %mul3A_90 : i32 to vector<16xi32>
      %mul3A_92 = arith.muli %get3A_89, %mul3A_91 : vector<16xi32>
      %add3A_93 = arith.addi %mul3A_92, %iota3A : vector<16xi32>
      tpu.vector_store_idx %arg5[%add3A_93], %broadcast_in_dim3A_72 {add = true} : memref<304xf32, #tpu.memory_space<vmem>>[vector<16xi32>], vector<16xf32>,
      %get3A_94 = arith.index_cast %scan3A_80 : i32 to index
      %get3A_95 = arith.constant 32 : index
      %get3A_96 = tpu.vector_load %arg4[%get3A_94, %get3A_95] {strides = array<i32>} : memref<128x512xi32, #tpu.memory_space<vmem>>, vector<16xi32>,
      %mul3A_97 = arith.constant 16 : i32
      %mul3A_98 = vector.broadcast %mul3A_97 : i32 to vector<16xi32>
      %mul3A_99 = arith.muli %get3A_96, %mul3A_98 : vector<16xi32>
      %add3A_100 = arith.addi %mul3A_99, %iota3A : vector<16xi32>
      tpu.vector_store_idx %arg5[%add3A_100], %broadcast_in_dim3A_72 {add = true} : memref<304xf32, #tpu.memory_space<vmem>>[vector<16xi32>], vector<16xf32>,
      %get3A_101 = arith.index_cast %scan3A_80 : i32 to index
      %get3A_102 = arith.constant 48 : index
      %get3A_103 = tpu.vector_load %arg4[%get3A_101, %get3A_102] {strides = array<i32>} : memref<128x512xi32, #tpu.memory_space<vmem>>, vector<16xi32>,
      %mul3A_104 = arith.constant 16 : i32
      %mul3A_105 = vector.broadcast %mul3A_104 : i32 to vector<16xi32>
      %mul3A_106 = arith.muli %get3A_103, %mul3A_105 : vector<16xi32>
      %add3A_107 = arith.addi %mul3A_106, %iota3A : vector<16xi32>
      tpu.vector_store_idx %arg5[%add3A_107], %broadcast_in_dim3A_72 {add = true} : memref<304xf32, #tpu.memory_space<vmem>>[vector<16xi32>], vector<16xf32>,
      %get3A_108 = arith.index_cast %scan3A_80 : i32 to index
      %get3A_109 = arith.constant 64 : index
      %get3A_110 = tpu.vector_load %arg4[%get3A_108, %get3A_109] {strides = array<i32>} : memref<128x512xi32, #tpu.memory_space<vmem>>, vector<16xi32>,
      %mul3A_111 = arith.constant 16 : i32
      %mul3A_112 = vector.broadcast %mul3A_111 : i32 to vector<16xi32>
      %mul3A_113 = arith.muli %get3A_110, %mul3A_112 : vector<16xi32>
      %add3A_114 = arith.addi %mul3A_113, %iota3A : vector<16xi32>
      tpu.vector_store_idx %arg5[%add3A_114], %broadcast_in_dim3A_72 {add = true} : memref<304xf32, #tpu.memory_space<vmem>>[vector<16xi32>], vector<16xf32>,
      %get3A_115 = arith.index_cast %scan3A_80 : i32 to index
      %get3A_116 = arith.constant 80 : index
      %get3A_117 = tpu.vector_load %arg4[%get3A_115, %get3A_116] {strides = array<i32>} : memref<128x512xi32, #tpu.memory_space<vmem>>, vector<16xi32>,
      %mul3A_118 = arith.constant 16 : i32
      %mul3A_119 = vector.broadcast %mul3A_118 : i32 to vector<16xi32>
      %mul3A_120 = arith.muli %get3A_117, %mul3A_119 : vector<16xi32>
      %add3A_121 = arith.addi %mul3A_120, %iota3A : vector<16xi32>
      tpu.vector_store_idx %arg5[%add3A_121], %broadcast_in_dim3A_72 {add = true} : memref<304xf32, #tpu.memory_space<vmem>>[vector<16xi32>], vector<16xf32>,
      %get3A_122 = arith.index_cast %scan3A_80 : i32 to index
      %get3A_123 = arith.constant 96 : index
      %get3A_124 = tpu.vector_load %arg4[%get3A_122, %get3A_123] {strides = array<i32>} : memref<128x512xi32, #tpu.memory_space<vmem>>, vector<16xi32>,
      %mul3A_125 = arith.constant 16 : i32
      %mul3A_126 = vector.broadcast %mul3A_125 : i32 to vector<16xi32>
      %mul3A_127 = arith.muli %get3A_124, %mul3A_126 : vector<16xi32>
      %add3A_128 = arith.addi %mul3A_127, %iota3A : vector<16xi32>
      tpu.vector_store_idx %arg5[%add3A_128], %broadcast_in_dim3A_72 {add = true} : memref<304xf32, #tpu.memory_space<vmem>>[vector<16xi32>], vector<16xf32>,
      %get3A_129 = arith.index_cast %scan3A_80 : i32 to index
      %get3A_130 = arith.constant 112 : index
      %get3A_131 = tpu.vector_load %arg4[%get3A_129, %get3A_130] {strides = array<i32>} : memref<128x512xi32, #tpu.memory_space<vmem>>, vector<16xi32>,
      %mul3A_132 = arith.constant 16 : i32
      %mul3A_133 = vector.broadcast %mul3A_132 : i32 to vector<16xi32>
      %mul3A_134 = arith.muli %get3A_131, %mul3A_133 : vector<16xi32>
      %add3A_135 = arith.addi %mul3A_134, %iota3A : vector<16xi32>
      tpu.vector_store_idx %arg5[%add3A_135], %broadcast_in_dim3A_72 {add = true} : memref<304xf32, #tpu.memory_space<vmem>>[vector<16xi32>], vector<16xf32>,
      %get3A_136 = arith.index_cast %scan3A_80 : i32 to index
      %get3A_137 = arith.constant 128 : index
      %get3A_138 = tpu.vector_load %arg4[%get3A_136, %get3A_137] {strides = array<i32>} : memref<128x512xi32, #tpu.memory_space<vmem>>, vector<16xi32>,
      %mul3A_139 = arith.constant 16 : i32
      %mul3A_140 = vector.broadcast %mul3A_139 : i32 to vector<16xi32>
      %mul3A_141 = arith.muli %get3A_138, %mul3A_140 : vector<16xi32>
      %add3A_142 = arith.addi %mul3A_141, %iota3A : vector<16xi32>
      tpu.vector_store_idx %arg5[%add3A_142], %broadcast_in_dim3A_72 {add = true} : memref<304xf32, #tpu.memory_space<vmem>>[vector<16xi32>], vector<16xf32>,
      %get3A_143 = arith.index_cast %scan3A_80 : i32 to index
      %get3A_144 = arith.constant 144 : index
      %get3A_145 = tpu.vector_load %arg4[%get3A_143, %get3A_144] {strides = array<i32>} : memref<128x512xi32, #tpu.memory_space<vmem>>, vector<16xi32>,
      %mul3A_146 = arith.constant 16 : i32
      %mul3A_147 = vector.broadcast %mul3A_146 : i32 to vector<16xi32>
      %mul3A_148 = arith.muli %get3A_145, %mul3A_147 : vector<16xi32>
      %add3A_149 = arith.addi %mul3A_148, %iota3A : vector<16xi32>
      tpu.vector_store_idx %arg5[%add3A_149], %broadcast_in_dim3A_72 {add = true} : memref<304xf32, #tpu.memory_space<vmem>>[vector<16xi32>], vector<16xf32>,
      %get3A_150 = arith.index_cast %scan3A_80 : i32 to index
      %get3A_151 = arith.constant 160 : index
      %get3A_152 = tpu.vector_load %arg4[%get3A_150, %get3A_151] {strides = array<i32>} : memref<128x512xi32, #tpu.memory_space<vmem>>, vector<16xi32>,
      %mul3A_153 = arith.constant 16 : i32
      %mul3A_154 = vector.broadcast %mul3A_153 : i32 to vector<16xi32>
      %mul3A_155 = arith.muli %get3A_152, %mul3A_154 : vector<16xi32>
      %add3A_156 = arith.addi %mul3A_155, %iota3A : vector<16xi32>
      tpu.vector_store_idx %arg5[%add3A_156], %broadcast_in_dim3A_72 {add = true} : memref<304xf32, #tpu.memory_space<vmem>>[vector<16xi32>], vector<16xf32>,
      %get3A_157 = arith.index_cast %scan3A_80 : i32 to index
      %get3A_158 = arith.constant 176 : index
      %get3A_159 = tpu.vector_load %arg4[%get3A_157, %get3A_158] {strides = array<i32>} : memref<128x512xi32, #tpu.memory_space<vmem>>, vector<16xi32>,
      %mul3A_160 = arith.constant 16 : i32
      %mul3A_161 = vector.broadcast %mul3A_160 : i32 to vector<16xi32>
      %mul3A_162 = arith.muli %get3A_159, %mul3A_161 : vector<16xi32>
      %add3A_163 = arith.addi %mul3A_162, %iota3A : vector<16xi32>
      tpu.vector_store_idx %arg5[%add3A_163], %broadcast_in_dim3A_72 {add = true} : memref<304xf32, #tpu.memory_space<vmem>>[vector<16xi32>], vector<16xf32>,
      %get3A_164 = arith.index_cast %scan3A_80 : i32 to index
      %get3A_165 = arith.constant 192 : index
      %get3A_166 = tpu.vector_load %arg4[%get3A_164, %get3A_165] {strides = array<i32>} : memref<128x512xi32, #tpu.memory_space<vmem>>, vector<16xi32>,
      %mul3A_167 = arith.constant 16 : i32
      %mul3A_168 = vector.broadcast %mul3A_167 : i32 to vector<16xi32>
      %mul3A_169 = arith.muli %get3A_166, %mul3A_168 : vector<16xi32>
      %add3A_170 = arith.addi %mul3A_169, %iota3A : vector<16xi32>
      tpu.vector_store_idx %arg5[%add3A_170], %broadcast_in_dim3A_72 {add = true} : memref<304xf32, #tpu.memory_space<vmem>>[vector<16xi32>], vector<16xf32>,
      %get3A_171 = arith.index_cast %scan3A_80 : i32 to index
      %get3A_172 = arith.constant 208 : index
      %get3A_173 = tpu.vector_load %arg4[%get3A_171, %get3A_172] {strides = array<i32>} : memref<128x512xi32, #tpu.memory_space<vmem>>, vector<16xi32>,
      %mul3A_174 = arith.constant 16 : i32
      %mul3A_175 = vector.broadcast %mul3A_174 : i32 to vector<16xi32>
      %mul3A_176 = arith.muli %get3A_173, %mul3A_175 : vector<16xi32>
      %add3A_177 = arith.addi %mul3A_176, %iota3A : vector<16xi32>
      tpu.vector_store_idx %arg5[%add3A_177], %broadcast_in_dim3A_72 {add = true} : memref<304xf32, #tpu.memory_space<vmem>>[vector<16xi32>], vector<16xf32>,
      %get3A_178 = arith.index_cast %scan3A_80 : i32 to index
      %get3A_179 = arith.constant 224 : index
      %get3A_180 = tpu.vector_load %arg4[%get3A_178, %get3A_179] {strides = array<i32>} : memref<128x512xi32, #tpu.memory_space<vmem>>, vector<16xi32>,
      %mul3A_181 = arith.constant 16 : i32
      %mul3A_182 = vector.broadcast %mul3A_181 : i32 to vector<16xi32>
      %mul3A_183 = arith.muli %get3A_180, %mul3A_182 : vector<16xi32>
      %add3A_184 = arith.addi %mul3A_183, %iota3A : vector<16xi32>
      tpu.vector_store_idx %arg5[%add3A_184], %broadcast_in_dim3A_72 {add = true} : memref<304xf32, #tpu.memory_space<vmem>>[vector<16xi32>], vector<16xf32>,
      %get3A_185 = arith.index_cast %scan3A_80 : i32 to index
      %get3A_186 = arith.constant 240 : index
      %get3A_187 = tpu.vector_load %arg4[%get3A_185, %get3A_186] {strides = array<i32>} : memref<128x512xi32, #tpu.memory_space<vmem>>, vector<16xi32>,
      %mul3A_188 = arith.constant 16 : i32
      %mul3A_189 = vector.broadcast %mul3A_188 : i32 to vector<16xi32>
      %mul3A_190 = arith.muli %get3A_187, %mul3A_189 : vector<16xi32>
      %add3A_191 = arith.addi %mul3A_190, %iota3A : vector<16xi32>
      tpu.vector_store_idx %arg5[%add3A_191], %broadcast_in_dim3A_72 {add = true} : memref<304xf32, #tpu.memory_space<vmem>>[vector<16xi32>], vector<16xf32>,
      %get3A_192 = arith.index_cast %scan3A_80 : i32 to index
      %get3A_193 = arith.constant 256 : index
      %get3A_194 = tpu.vector_load %arg4[%get3A_192, %get3A_193] {strides = array<i32>} : memref<128x512xi32, #tpu.memory_space<vmem>>, vector<16xi32>,
      %mul3A_195 = arith.constant 16 : i32
      %mul3A_196 = vector.broadcast %mul3A_195 : i32 to vector<16xi32>
      %mul3A_197 = arith.muli %get3A_194, %mul3A_196 : vector<16xi32>
      %add3A_198 = arith.addi %mul3A_197, %iota3A : vector<16xi32>
      tpu.vector_store_idx %arg5[%add3A_198], %broadcast_in_dim3A_72 {add = true} : memref<304xf32, #tpu.memory_space<vmem>>[vector<16xi32>], vector<16xf32>,
      %get3A_199 = arith.index_cast %scan3A_80 : i32 to index
      %get3A_200 = arith.constant 272 : index
      %get3A_201 = tpu.vector_load %arg4[%get3A_199, %get3A_200] {strides = array<i32>} : memref<128x512xi32, #tpu.memory_space<vmem>>, vector<16xi32>,
      %mul3A_202 = arith.constant 16 : i32
      %mul3A_203 = vector.broadcast %mul3A_202 : i32 to vector<16xi32>
      %mul3A_204 = arith.muli %get3A_201, %mul3A_203 : vector<16xi32>
      %add3A_205 = arith.addi %mul3A_204, %iota3A : vector<16xi32>
      tpu.vector_store_idx %arg5[%add3A_205], %broadcast_in_dim3A_72 {add = true} : memref<304xf32, #tpu.memory_space<vmem>>[vector<16xi32>], vector<16xf32>,
      %get3A_206 = arith.index_cast %scan3A_80 : i32 to index
      %get3A_207 = arith.constant 288 : index
      %get3A_208 = tpu.vector_load %arg4[%get3A_206, %get3A_207] {strides = array<i32>} : memref<128x512xi32, #tpu.memory_space<vmem>>, vector<16xi32>,
      %mul3A_209 = arith.constant 16 : i32
      %mul3A_210 = vector.broadcast %mul3A_209 : i32 to vector<16xi32>
      %mul3A_211 = arith.muli %get3A_208, %mul3A_210 : vector<16xi32>
      %add3A_212 = arith.addi %mul3A_211, %iota3A : vector<16xi32>
      tpu.vector_store_idx %arg5[%add3A_212], %broadcast_in_dim3A_72 {add = true} : memref<304xf32, #tpu.memory_space<vmem>>[vector<16xi32>], vector<16xf32>,
      %get3A_213 = arith.index_cast %scan3A_80 : i32 to index
      %get3A_214 = arith.constant 304 : index
      %get3A_215 = tpu.vector_load %arg4[%get3A_213, %get3A_214] {strides = array<i32>} : memref<128x512xi32, #tpu.memory_space<vmem>>, vector<16xi32>,
      %mul3A_216 = arith.constant 16 : i32
      %mul3A_217 = vector.broadcast %mul3A_216 : i32 to vector<16xi32>
      %mul3A_218 = arith.muli %get3A_215, %mul3A_217 : vector<16xi32>
      %add3A_219 = arith.addi %mul3A_218, %iota3A : vector<16xi32>
      tpu.vector_store_idx %arg5[%add3A_219], %broadcast_in_dim3A_72 {add = true} : memref<304xf32, #tpu.memory_space<vmem>>[vector<16xi32>], vector<16xf32>,
      %get3A_220 = arith.index_cast %scan3A_80 : i32 to index
      %get3A_221 = arith.constant 320 : index
      %get3A_222 = tpu.vector_load %arg4[%get3A_220, %get3A_221] {strides = array<i32>} : memref<128x512xi32, #tpu.memory_space<vmem>>, vector<16xi32>,
      %mul3A_223 = arith.constant 16 : i32
      %mul3A_224 = vector.broadcast %mul3A_223 : i32 to vector<16xi32>
      %mul3A_225 = arith.muli %get3A_222, %mul3A_224 : vector<16xi32>
      %add3A_226 = arith.addi %mul3A_225, %iota3A : vector<16xi32>
      tpu.vector_store_idx %arg5[%add3A_226], %broadcast_in_dim3A_72 {add = true} : memref<304xf32, #tpu.memory_space<vmem>>[vector<16xi32>], vector<16xf32>,
      %get3A_227 = arith.index_cast %scan3A_80 : i32 to index
      %get3A_228 = arith.constant 336 : index
      %get3A_229 = tpu.vector_load %arg4[%get3A_227, %get3A_228] {strides = array<i32>} : memref<128x512xi32, #tpu.memory_space<vmem>>, vector<16xi32>,
      %mul3A_230 = arith.constant 16 : i32
      %mul3A_231 = vector.broadcast %mul3A_230 : i32 to vector<16xi32>
      %mul3A_232 = arith.muli %get3A_229, %mul3A_231 : vector<16xi32>
      %add3A_233 = arith.addi %mul3A_232, %iota3A : vector<16xi32>
      tpu.vector_store_idx %arg5[%add3A_233], %broadcast_in_dim3A_72 {add = true} : memref<304xf32, #tpu.memory_space<vmem>>[vector<16xi32>], vector<16xf32>,
      %get3A_234 = arith.index_cast %scan3A_80 : i32 to index
      %get3A_235 = arith.constant 352 : index
      %get3A_236 = tpu.vector_load %arg4[%get3A_234, %get3A_235] {strides = array<i32>} : memref<128x512xi32, #tpu.memory_space<vmem>>, vector<16xi32>,
      %mul3A_237 = arith.constant 16 : i32
      %mul3A_238 = vector.broadcast %mul3A_237 : i32 to vector<16xi32>
      %mul3A_239 = arith.muli %get3A_236, %mul3A_238 : vector<16xi32>
      %add3A_240 = arith.addi %mul3A_239, %iota3A : vector<16xi32>
      tpu.vector_store_idx %arg5[%add3A_240], %broadcast_in_dim3A_72 {add = true} : memref<304xf32, #tpu.memory_space<vmem>>[vector<16xi32>], vector<16xf32>,
      %get3A_241 = arith.index_cast %scan3A_80 : i32 to index
      %get3A_242 = arith.constant 368 : index
      %get3A_243 = tpu.vector_load %arg4[%get3A_241, %get3A_242] {strides = array<i32>} : memref<128x512xi32, #tpu.memory_space<vmem>>, vector<16xi32>,
      %mul3A_244 = arith.constant 16 : i32
      %mul3A_245 = vector.broadcast %mul3A_244 : i32 to vector<16xi32>
      %mul3A_246 = arith.muli %get3A_243, %mul3A_245 : vector<16xi32>
      %add3A_247 = arith.addi %mul3A_246, %iota3A : vector<16xi32>
      tpu.vector_store_idx %arg5[%add3A_247], %broadcast_in_dim3A_72 {add = true} : memref<304xf32, #tpu.memory_space<vmem>>[vector<16xi32>], vector<16xf32>,
      %get3A_248 = arith.index_cast %scan3A_80 : i32 to index
      %get3A_249 = arith.constant 384 : index
      %get3A_250 = tpu.vector_load %arg4[%get3A_248, %get3A_249] {strides = array<i32>} : memref<128x512xi32, #tpu.memory_space<vmem>>, vector<16xi32>,
      %mul3A_251 = arith.constant 16 : i32
      %mul3A_252 = vector.broadcast %mul3A_251 : i32 to vector<16xi32>
      %mul3A_253 = arith.muli %get3A_250, %mul3A_252 : vector<16xi32>
      %add3A_254 = arith.addi %mul3A_253, %iota3A : vector<16xi32>
      tpu.vector_store_idx %arg5[%add3A_254], %broadcast_in_dim3A_72 {add = true} : memref<304xf32, #tpu.memory_space<vmem>>[vector<16xi32>], vector<16xf32>,
      %get3A_255 = arith.index_cast %scan3A_80 : i32 to index
      %get3A_256 = arith.constant 400 : index
      %get3A_257 = tpu.vector_load %arg4[%get3A_255, %get3A_256] {strides = array<i32>} : memref<128x512xi32, #tpu.memory_space<vmem>>, vector<16xi32>,
      %mul3A_258 = arith.constant 16 : i32
      %mul3A_259 = vector.broadcast %mul3A_258 : i32 to vector<16xi32>
      %mul3A_260 = arith.muli %get3A_257, %mul3A_259 : vector<16xi32>
      %add3A_261 = arith.addi %mul3A_260, %iota3A : vector<16xi32>
      tpu.vector_store_idx %arg5[%add3A_261], %broadcast_in_dim3A_72 {add = true} : memref<304xf32, #tpu.memory_space<vmem>>[vector<16xi32>], vector<16xf32>,
      %get3A_262 = arith.index_cast %scan3A_80 : i32 to index
      %get3A_263 = arith.constant 416 : index
      %get3A_264 = tpu.vector_load %arg4[%get3A_262, %get3A_263] {strides = array<i32>} : memref<128x512xi32, #tpu.memory_space<vmem>>, vector<16xi32>,
      %mul3A_265 = arith.constant 16 : i32
      %mul3A_266 = vector.broadcast %mul3A_265 : i32 to vector<16xi32>
      %mul3A_267 = arith.muli %get3A_264, %mul3A_266 : vector<16xi32>
      %add3A_268 = arith.addi %mul3A_267, %iota3A : vector<16xi32>
      tpu.vector_store_idx %arg5[%add3A_268], %broadcast_in_dim3A_72 {add = true} : memref<304xf32, #tpu.memory_space<vmem>>[vector<16xi32>], vector<16xf32>,
      %get3A_269 = arith.index_cast %scan3A_80 : i32 to index
      %get3A_270 = arith.constant 432 : index
      %get3A_271 = tpu.vector_load %arg4[%get3A_269, %get3A_270] {strides = array<i32>} : memref<128x512xi32, #tpu.memory_space<vmem>>, vector<16xi32>,
      %mul3A_272 = arith.constant 16 : i32
      %mul3A_273 = vector.broadcast %mul3A_272 : i32 to vector<16xi32>
      %mul3A_274 = arith.muli %get3A_271, %mul3A_273 : vector<16xi32>
      %add3A_275 = arith.addi %mul3A_274, %iota3A : vector<16xi32>
      tpu.vector_store_idx %arg5[%add3A_275], %broadcast_in_dim3A_72 {add = true} : memref<304xf32, #tpu.memory_space<vmem>>[vector<16xi32>], vector<16xf32>,
      %get3A_276 = arith.index_cast %scan3A_80 : i32 to index
      %get3A_277 = arith.constant 448 : index
      %get3A_278 = tpu.vector_load %arg4[%get3A_276, %get3A_277] {strides = array<i32>} : memref<128x512xi32, #tpu.memory_space<vmem>>, vector<16xi32>,
      %mul3A_279 = arith.constant 16 : i32
      %mul3A_280 = vector.broadcast %mul3A_279 : i32 to vector<16xi32>
      %mul3A_281 = arith.muli %get3A_278, %mul3A_280 : vector<16xi32>
      %add3A_282 = arith.addi %mul3A_281, %iota3A : vector<16xi32>
      tpu.vector_store_idx %arg5[%add3A_282], %broadcast_in_dim3A_72 {add = true} : memref<304xf32, #tpu.memory_space<vmem>>[vector<16xi32>], vector<16xf32>,
      %get3A_283 = arith.index_cast %scan3A_80 : i32 to index
      %get3A_284 = arith.constant 464 : index
      %get3A_285 = tpu.vector_load %arg4[%get3A_283, %get3A_284] {strides = array<i32>} : memref<128x512xi32, #tpu.memory_space<vmem>>, vector<16xi32>,
      %mul3A_286 = arith.constant 16 : i32
      %mul3A_287 = vector.broadcast %mul3A_286 : i32 to vector<16xi32>
      %mul3A_288 = arith.muli %get3A_285, %mul3A_287 : vector<16xi32>
      %add3A_289 = arith.addi %mul3A_288, %iota3A : vector<16xi32>
      tpu.vector_store_idx %arg5[%add3A_289], %broadcast_in_dim3A_72 {add = true} : memref<304xf32, #tpu.memory_space<vmem>>[vector<16xi32>], vector<16xf32>,
      %get3A_290 = arith.index_cast %scan3A_80 : i32 to index
      %get3A_291 = arith.constant 480 : index
      %get3A_292 = tpu.vector_load %arg4[%get3A_290, %get3A_291] {strides = array<i32>} : memref<128x512xi32, #tpu.memory_space<vmem>>, vector<16xi32>,
      %mul3A_293 = arith.constant 16 : i32
      %mul3A_294 = vector.broadcast %mul3A_293 : i32 to vector<16xi32>
      %mul3A_295 = arith.muli %get3A_292, %mul3A_294 : vector<16xi32>
      %add3A_296 = arith.addi %mul3A_295, %iota3A : vector<16xi32>
      tpu.vector_store_idx %arg5[%add3A_296], %broadcast_in_dim3A_72 {add = true} : memref<304xf32, #tpu.memory_space<vmem>>[vector<16xi32>], vector<16xf32>,
      %get3A_297 = arith.index_cast %scan3A_80 : i32 to index
      %get3A_298 = arith.constant 496 : index
      %get3A_299 = tpu.vector_load %arg4[%get3A_297, %get3A_298] {strides = array<i32>} : memref<128x512xi32, #tpu.memory_space<vmem>>, vector<16xi32>,
      %mul3A_300 = arith.constant 16 : i32
      %mul3A_301 = vector.broadcast %mul3A_300 : i32 to vector<16xi32>
      %mul3A_302 = arith.muli %get3A_299, %mul3A_301 : vector<16xi32>
      %add3A_303 = arith.addi %mul3A_302, %iota3A : vector<16xi32>
      tpu.vector_store_idx %arg5[%add3A_303], %broadcast_in_dim3A_72 {add = true} : memref<304xf32, #tpu.memory_space<vmem>>[vector<16xi32>], vector<16xf32>,
    }
    %scan3A_77 = arith.constant 128 : i32
    %mul3A_78 = arith.constant 304 : i32
    %mul3A_79 = arith.muli %add3A, %mul3A_78 : i32
    "tpu.region"() ({
      %run_scoped3A = tpu.sem_alloc : memref<!tpu.dma_semaphore, #tpu.memory_space<semaphore_mem>>
      %dma_start3A = tpu.memref_slice %arg3[%mul3A_79] : memref<9728xf32, #tpu.memory_space<hbm>> -> memref<304xf32, #tpu.memory_space<hbm>>
      %dma_start3A_80 = tpu.memref_slice %arg3[%mul3A_79] : memref<9728xf32, #tpu.memory_space<hbm>> -> memref<304xf32, #tpu.memory_space<hbm>>
      tpu.enqueue_dma source(%arg5 : memref<304xf32, #tpu.memory_space<vmem>>) target(%dma_start3A_80 : memref<304xf32, #tpu.memory_space<hbm>>) target_semaphore(%run_scoped3A : memref<!tpu.dma_semaphore, #tpu.memory_space<semaphore_mem>>)
      %dma_wait3A = tpu.memref_slice %arg3[%mul3A_79] : memref<9728xf32, #tpu.memory_space<hbm>> -> memref<304xf32, #tpu.memory_space<hbm>>
      %dma_wait3A_81 = tpu.memref_slice %arg3[%mul3A_79] : memref<9728xf32, #tpu.memory_space<hbm>> -> memref<304xf32, #tpu.memory_space<hbm>>
      tpu.wait_dma2 semaphore(%run_scoped3A : memref<!tpu.dma_semaphore, #tpu.memory_space<semaphore_mem>>) src(%arg5 : memref<304xf32, #tpu.memory_space<vmem>>) dst(%dma_wait3A_81 : memref<304xf32, #tpu.memory_space<hbm>>)
      tpu.yield
    }) : () -> ()
    return
  }
}

module attributes {stable_mosaic.version = 14 : i64} {
  func.func @_tc_body(%arg0: i32, %arg1: i32, %arg2: memref<1x19x256x512xf32, #tpu.memory_space<vmem>>, %arg3: memref<1x256x512xi32, #tpu.memory_space<vmem>>, %arg4: memref<3x19x512xf32, #tpu.memory_space<vmem>>) attributes {dimension_semantics = [#tpu.dimension_semantics<arbitrary>, #tpu.dimension_semantics<arbitrary>], iteration_bounds = array<i64: 8, 2>, scalar_prefetch = 0 : i64, scratch_operands = 0 : i64, tpu.core_type = #tpu.core_type<tc>, window_params = [{transform_indices = @transform_0, window_bounds = array<i64: 1, 19, 256, 512>}, {transform_indices = @transform_1, window_bounds = array<i64: 1, 256, 512>}, {pipeline_mode = #tpu.pipeline_mode<synchronous>, transform_indices = @transform_2, window_bounds = array<i64: 3, 19, 512>}]} {
    %eq3A = arith.constant 0 : i32
    %eq3A_0 = arith.cmpi eq, %arg0, %eq3A : i32
    %eq3A_1 = arith.constant 0 : i32
    %eq3A_2 = arith.cmpi eq, %arg1, %eq3A_1 : i32
    %and3A = arith.andi %eq3A_0, %eq3A_2 : i1
    %convert_element_type3A = arith.extui %and3A : i1 to i32
    %cond3A = arith.constant 0 : i32
    %cond3A_3 = arith.cmpi ne, %convert_element_type3A, %cond3A : i32
    scf.if %cond3A_3 {
      %broadcast_in_dim3A_1465 = arith.constant 0.000000e+00 : f32
      %broadcast_in_dim3A_1466 = vector.broadcast %broadcast_in_dim3A_1465 : f32 to vector<3x19x512xf32>
      %swap3A_1467 = arith.constant 0 : index
      %swap3A_1468 = arith.constant 0 : index
      %swap3A_1469 = arith.constant 0 : index
      %swap3A_1470 = vector.load %arg4[%swap3A_1467, %swap3A_1468, %swap3A_1469] : memref<3x19x512xf32, #tpu.memory_space<vmem>>, vector<3x19x512xf32>
      tpu.vector_store %arg4[%swap3A_1467, %swap3A_1468, %swap3A_1469], %broadcast_in_dim3A_1466 {strides = array<i32>} : memref<3x19x512xf32, #tpu.memory_space<vmem>>, vector<3x19x512xf32>,
    } else {
    }
    %get3A = arith.constant 0 : index
    %get3A_4 = arith.constant 0 : index
    %get3A_5 = arith.constant 0 : index
    %get3A_6 = vector.load %arg3[%get3A, %get3A_4, %get3A_5] : memref<1x256x512xi32, #tpu.memory_space<vmem>>, vector<1x256x512xi32>
    %get3A_7 = vector.shape_cast %get3A_6 : vector<1x256x512xi32> to vector<256x512xi32>
    %broadcast_in_dim3A = arith.constant 1.000000e+00 : f32
    %broadcast_in_dim3A_8 = vector.broadcast %broadcast_in_dim3A : f32 to vector<1x256xf32>
    %get3A_9 = arith.constant 0 : index
    %get3A_10 = arith.constant 0 : index
    %get3A_11 = arith.constant 0 : index
    %get3A_12 = arith.constant 0 : index
    %get3A_13 = vector.load %arg2[%get3A_9, %get3A_10, %get3A_11, %get3A_12] : memref<1x19x256x512xf32, #tpu.memory_space<vmem>>, vector<1x1x256x512xf32>
    %get3A_14 = vector.shape_cast %get3A_13 : vector<1x1x256x512xf32> to vector<256x512xf32>
    %get3A_15 = arith.constant 0 : index
    %get3A_16 = arith.constant 1 : index
    %get3A_17 = arith.constant 0 : index
    %get3A_18 = arith.constant 0 : index
    %get3A_19 = vector.load %arg2[%get3A_15, %get3A_16, %get3A_17, %get3A_18] : memref<1x19x256x512xf32, #tpu.memory_space<vmem>>, vector<1x1x256x512xf32>
    %get3A_20 = vector.shape_cast %get3A_19 : vector<1x1x256x512xf32> to vector<256x512xf32>
    %max3A = arith.maximumf %get3A_14, %get3A_20 : vector<256x512xf32>
    %get3A_21 = arith.constant 0 : index
    %get3A_22 = arith.constant 2 : index
    %get3A_23 = arith.constant 0 : index
    %get3A_24 = arith.constant 0 : index
    %get3A_25 = vector.load %arg2[%get3A_21, %get3A_22, %get3A_23, %get3A_24] : memref<1x19x256x512xf32, #tpu.memory_space<vmem>>, vector<1x1x256x512xf32>
    %get3A_26 = vector.shape_cast %get3A_25 : vector<1x1x256x512xf32> to vector<256x512xf32>
    %max3A_27 = arith.maximumf %max3A, %get3A_26 : vector<256x512xf32>
    %get3A_28 = arith.constant 0 : index
    %get3A_29 = arith.constant 3 : index
    %get3A_30 = arith.constant 0 : index
    %get3A_31 = arith.constant 0 : index
    %get3A_32 = vector.load %arg2[%get3A_28, %get3A_29, %get3A_30, %get3A_31] : memref<1x19x256x512xf32, #tpu.memory_space<vmem>>, vector<1x1x256x512xf32>
    %get3A_33 = vector.shape_cast %get3A_32 : vector<1x1x256x512xf32> to vector<256x512xf32>
    %max3A_34 = arith.maximumf %max3A_27, %get3A_33 : vector<256x512xf32>
    %get3A_35 = arith.constant 0 : index
    %get3A_36 = arith.constant 4 : index
    %get3A_37 = arith.constant 0 : index
    %get3A_38 = arith.constant 0 : index
    %get3A_39 = vector.load %arg2[%get3A_35, %get3A_36, %get3A_37, %get3A_38] : memref<1x19x256x512xf32, #tpu.memory_space<vmem>>, vector<1x1x256x512xf32>
    %get3A_40 = vector.shape_cast %get3A_39 : vector<1x1x256x512xf32> to vector<256x512xf32>
    %max3A_41 = arith.maximumf %max3A_34, %get3A_40 : vector<256x512xf32>
    %get3A_42 = arith.constant 0 : index
    %get3A_43 = arith.constant 5 : index
    %get3A_44 = arith.constant 0 : index
    %get3A_45 = arith.constant 0 : index
    %get3A_46 = vector.load %arg2[%get3A_42, %get3A_43, %get3A_44, %get3A_45] : memref<1x19x256x512xf32, #tpu.memory_space<vmem>>, vector<1x1x256x512xf32>
    %get3A_47 = vector.shape_cast %get3A_46 : vector<1x1x256x512xf32> to vector<256x512xf32>
    %max3A_48 = arith.maximumf %max3A_41, %get3A_47 : vector<256x512xf32>
    %get3A_49 = arith.constant 0 : index
    %get3A_50 = arith.constant 6 : index
    %get3A_51 = arith.constant 0 : index
    %get3A_52 = arith.constant 0 : index
    %get3A_53 = vector.load %arg2[%get3A_49, %get3A_50, %get3A_51, %get3A_52] : memref<1x19x256x512xf32, #tpu.memory_space<vmem>>, vector<1x1x256x512xf32>
    %get3A_54 = vector.shape_cast %get3A_53 : vector<1x1x256x512xf32> to vector<256x512xf32>
    %max3A_55 = arith.maximumf %max3A_48, %get3A_54 : vector<256x512xf32>
    %get3A_56 = arith.constant 0 : index
    %get3A_57 = arith.constant 7 : index
    %get3A_58 = arith.constant 0 : index
    %get3A_59 = arith.constant 0 : index
    %get3A_60 = vector.load %arg2[%get3A_56, %get3A_57, %get3A_58, %get3A_59] : memref<1x19x256x512xf32, #tpu.memory_space<vmem>>, vector<1x1x256x512xf32>
    %get3A_61 = vector.shape_cast %get3A_60 : vector<1x1x256x512xf32> to vector<256x512xf32>
    %max3A_62 = arith.maximumf %max3A_55, %get3A_61 : vector<256x512xf32>
    %get3A_63 = arith.constant 0 : index
    %get3A_64 = arith.constant 8 : index
    %get3A_65 = arith.constant 0 : index
    %get3A_66 = arith.constant 0 : index
    %get3A_67 = vector.load %arg2[%get3A_63, %get3A_64, %get3A_65, %get3A_66] : memref<1x19x256x512xf32, #tpu.memory_space<vmem>>, vector<1x1x256x512xf32>
    %get3A_68 = vector.shape_cast %get3A_67 : vector<1x1x256x512xf32> to vector<256x512xf32>
    %max3A_69 = arith.maximumf %max3A_62, %get3A_68 : vector<256x512xf32>
    %get3A_70 = arith.constant 0 : index
    %get3A_71 = arith.constant 9 : index
    %get3A_72 = arith.constant 0 : index
    %get3A_73 = arith.constant 0 : index
    %get3A_74 = vector.load %arg2[%get3A_70, %get3A_71, %get3A_72, %get3A_73] : memref<1x19x256x512xf32, #tpu.memory_space<vmem>>, vector<1x1x256x512xf32>
    %get3A_75 = vector.shape_cast %get3A_74 : vector<1x1x256x512xf32> to vector<256x512xf32>
    %max3A_76 = arith.maximumf %max3A_69, %get3A_75 : vector<256x512xf32>
    %get3A_77 = arith.constant 0 : index
    %get3A_78 = arith.constant 10 : index
    %get3A_79 = arith.constant 0 : index
    %get3A_80 = arith.constant 0 : index
    %get3A_81 = vector.load %arg2[%get3A_77, %get3A_78, %get3A_79, %get3A_80] : memref<1x19x256x512xf32, #tpu.memory_space<vmem>>, vector<1x1x256x512xf32>
    %get3A_82 = vector.shape_cast %get3A_81 : vector<1x1x256x512xf32> to vector<256x512xf32>
    %max3A_83 = arith.maximumf %max3A_76, %get3A_82 : vector<256x512xf32>
    %get3A_84 = arith.constant 0 : index
    %get3A_85 = arith.constant 11 : index
    %get3A_86 = arith.constant 0 : index
    %get3A_87 = arith.constant 0 : index
    %get3A_88 = vector.load %arg2[%get3A_84, %get3A_85, %get3A_86, %get3A_87] : memref<1x19x256x512xf32, #tpu.memory_space<vmem>>, vector<1x1x256x512xf32>
    %get3A_89 = vector.shape_cast %get3A_88 : vector<1x1x256x512xf32> to vector<256x512xf32>
    %max3A_90 = arith.maximumf %max3A_83, %get3A_89 : vector<256x512xf32>
    %get3A_91 = arith.constant 0 : index
    %get3A_92 = arith.constant 12 : index
    %get3A_93 = arith.constant 0 : index
    %get3A_94 = arith.constant 0 : index
    %get3A_95 = vector.load %arg2[%get3A_91, %get3A_92, %get3A_93, %get3A_94] : memref<1x19x256x512xf32, #tpu.memory_space<vmem>>, vector<1x1x256x512xf32>
    %get3A_96 = vector.shape_cast %get3A_95 : vector<1x1x256x512xf32> to vector<256x512xf32>
    %max3A_97 = arith.maximumf %max3A_90, %get3A_96 : vector<256x512xf32>
    %get3A_98 = arith.constant 0 : index
    %get3A_99 = arith.constant 13 : index
    %get3A_100 = arith.constant 0 : index
    %get3A_101 = arith.constant 0 : index
    %get3A_102 = vector.load %arg2[%get3A_98, %get3A_99, %get3A_100, %get3A_101] : memref<1x19x256x512xf32, #tpu.memory_space<vmem>>, vector<1x1x256x512xf32>
    %get3A_103 = vector.shape_cast %get3A_102 : vector<1x1x256x512xf32> to vector<256x512xf32>
    %max3A_104 = arith.maximumf %max3A_97, %get3A_103 : vector<256x512xf32>
    %get3A_105 = arith.constant 0 : index
    %get3A_106 = arith.constant 14 : index
    %get3A_107 = arith.constant 0 : index
    %get3A_108 = arith.constant 0 : index
    %get3A_109 = vector.load %arg2[%get3A_105, %get3A_106, %get3A_107, %get3A_108] : memref<1x19x256x512xf32, #tpu.memory_space<vmem>>, vector<1x1x256x512xf32>
    %get3A_110 = vector.shape_cast %get3A_109 : vector<1x1x256x512xf32> to vector<256x512xf32>
    %max3A_111 = arith.maximumf %max3A_104, %get3A_110 : vector<256x512xf32>
    %get3A_112 = arith.constant 0 : index
    %get3A_113 = arith.constant 15 : index
    %get3A_114 = arith.constant 0 : index
    %get3A_115 = arith.constant 0 : index
    %get3A_116 = vector.load %arg2[%get3A_112, %get3A_113, %get3A_114, %get3A_115] : memref<1x19x256x512xf32, #tpu.memory_space<vmem>>, vector<1x1x256x512xf32>
    %get3A_117 = vector.shape_cast %get3A_116 : vector<1x1x256x512xf32> to vector<256x512xf32>
    %max3A_118 = arith.maximumf %max3A_111, %get3A_117 : vector<256x512xf32>
    %get3A_119 = arith.constant 0 : index
    %get3A_120 = arith.constant 16 : index
    %get3A_121 = arith.constant 0 : index
    %get3A_122 = arith.constant 0 : index
    %get3A_123 = vector.load %arg2[%get3A_119, %get3A_120, %get3A_121, %get3A_122] : memref<1x19x256x512xf32, #tpu.memory_space<vmem>>, vector<1x1x256x512xf32>
    %get3A_124 = vector.shape_cast %get3A_123 : vector<1x1x256x512xf32> to vector<256x512xf32>
    %max3A_125 = arith.maximumf %max3A_118, %get3A_124 : vector<256x512xf32>
    %get3A_126 = arith.constant 0 : index
    %get3A_127 = arith.constant 17 : index
    %get3A_128 = arith.constant 0 : index
    %get3A_129 = arith.constant 0 : index
    %get3A_130 = vector.load %arg2[%get3A_126, %get3A_127, %get3A_128, %get3A_129] : memref<1x19x256x512xf32, #tpu.memory_space<vmem>>, vector<1x1x256x512xf32>
    %get3A_131 = vector.shape_cast %get3A_130 : vector<1x1x256x512xf32> to vector<256x512xf32>
    %max3A_132 = arith.maximumf %max3A_125, %get3A_131 : vector<256x512xf32>
    %get3A_133 = arith.constant 0 : index
    %get3A_134 = arith.constant 18 : index
    %get3A_135 = arith.constant 0 : index
    %get3A_136 = arith.constant 0 : index
    %get3A_137 = vector.load %arg2[%get3A_133, %get3A_134, %get3A_135, %get3A_136] : memref<1x19x256x512xf32, #tpu.memory_space<vmem>>, vector<1x1x256x512xf32>
    %get3A_138 = vector.shape_cast %get3A_137 : vector<1x1x256x512xf32> to vector<256x512xf32>
    %max3A_139 = arith.maximumf %max3A_132, %get3A_138 : vector<256x512xf32>
    %broadcast_in_dim3A_140 = arith.constant 0.000000e+00 : f32
    %broadcast_in_dim3A_141 = vector.broadcast %broadcast_in_dim3A_140 : f32 to vector<256x512xf32>
    %get3A_142 = arith.constant 0 : index
    %get3A_143 = arith.constant 0 : index
    %get3A_144 = arith.constant 0 : index
    %get3A_145 = arith.constant 0 : index
    %get3A_146 = vector.load %arg2[%get3A_142, %get3A_143, %get3A_144, %get3A_145] : memref<1x19x256x512xf32, #tpu.memory_space<vmem>>, vector<1x1x256x512xf32>
    %get3A_147 = vector.shape_cast %get3A_146 : vector<1x1x256x512xf32> to vector<256x512xf32>
    %sub3A = arith.subf %get3A_147, %max3A_139 : vector<256x512xf32>
    %exp3A = math.exp %sub3A : vector<256x512xf32>
    %add3A = arith.addf %broadcast_in_dim3A_141, %exp3A : vector<256x512xf32>
    %eq3A_148 = arith.constant 0 : i32
    %eq3A_149 = vector.broadcast %eq3A_148 : i32 to vector<256x512xi32>
    %eq3A_150 = arith.cmpi eq, %get3A_7, %eq3A_149 : vector<256x512xi32>
    %convert_element_type3A_151 = arith.extui %eq3A_150 : vector<256x512xi1> to vector<256x512xi32>
    %convert_element_type3A_152 = arith.sitofp %convert_element_type3A_151 : vector<256x512xi32> to vector<256x512xf32>
    %lt3A = arith.cmpf olt, %get3A_147, %max3A_139 : vector<256x512xf32>
    %convert_element_type3A_153 = arith.extui %lt3A : vector<256x512xi1> to vector<256x512xi32>
    %convert_element_type3A_154 = arith.sitofp %convert_element_type3A_153 : vector<256x512xi32> to vector<256x512xf32>
    %mul3A = arith.mulf %convert_element_type3A_152, %convert_element_type3A_154 : vector<256x512xf32>
    %mul3A_155 = arith.mulf %convert_element_type3A_152, %get3A_147 : vector<256x512xf32>
    %get3A_156 = arith.constant 0 : index
    %get3A_157 = arith.constant 0 : index
    %get3A_158 = arith.constant 0 : index
    %get3A_159 = vector.load %arg4[%get3A_156, %get3A_157, %get3A_158] : memref<3x19x512xf32, #tpu.memory_space<vmem>>, vector<1x1x512xf32>
    %get3A_160 = vector.shape_cast %get3A_159 : vector<1x1x512xf32> to vector<512xf32>
    %dot_general3A = arith.constant dense<0.000000e+00> : vector<1x512xf32>
    %dot_general3A_161 = tpu.matmul %broadcast_in_dim3A_8, %mul3A, %dot_general3A {dimension_numbers = #tpu.dot_dimension_numbers<[1], [0], [0], [1], [0, 0, 1, 1], [], []>, transpose_lhs_hint = false} : vector<1x256xf32>, vector<256x512xf32>, vector<1x512xf32> -> vector<1x512xf32>
    %squeeze3A = vector.shape_cast %dot_general3A_161 : vector<1x512xf32> to vector<512xf32>
    %add3A_162 = arith.addf %get3A_160, %squeeze3A : vector<512xf32>
    %swap3A = arith.constant 0 : index
    %swap3A_163 = arith.constant 0 : index
    %swap3A_164 = arith.constant 0 : index
    %swap3A_165 = vector.load %arg4[%swap3A, %swap3A_163, %swap3A_164] : memref<3x19x512xf32, #tpu.memory_space<vmem>>, vector<1x1x512xf32>
    %swap3A_166 = vector.shape_cast %swap3A_165 : vector<1x1x512xf32> to vector<512xf32>
    %swap3A_167 = vector.shape_cast %add3A_162 : vector<512xf32> to vector<1x1x512xf32>
    tpu.vector_store %arg4[%swap3A, %swap3A_163, %swap3A_164], %swap3A_167 {strides = array<i32>} : memref<3x19x512xf32, #tpu.memory_space<vmem>>, vector<1x1x512xf32>,
    %get3A_168 = arith.constant 1 : index
    %get3A_169 = arith.constant 0 : index
    %get3A_170 = arith.constant 0 : index
    %get3A_171 = vector.load %arg4[%get3A_168, %get3A_169, %get3A_170] : memref<3x19x512xf32, #tpu.memory_space<vmem>>, vector<1x1x512xf32>
    %get3A_172 = vector.shape_cast %get3A_171 : vector<1x1x512xf32> to vector<512xf32>
    %dot_general3A_173 = arith.constant dense<0.000000e+00> : vector<1x512xf32>
    %dot_general3A_174 = tpu.matmul %broadcast_in_dim3A_8, %mul3A_155, %dot_general3A_173 {dimension_numbers = #tpu.dot_dimension_numbers<[1], [0], [0], [1], [0, 0, 1, 1], [], []>, transpose_lhs_hint = false} : vector<1x256xf32>, vector<256x512xf32>, vector<1x512xf32> -> vector<1x512xf32>
    %squeeze3A_175 = vector.shape_cast %dot_general3A_174 : vector<1x512xf32> to vector<512xf32>
    %add3A_176 = arith.addf %get3A_172, %squeeze3A_175 : vector<512xf32>
    %swap3A_177 = arith.constant 1 : index
    %swap3A_178 = arith.constant 0 : index
    %swap3A_179 = arith.constant 0 : index
    %swap3A_180 = vector.load %arg4[%swap3A_177, %swap3A_178, %swap3A_179] : memref<3x19x512xf32, #tpu.memory_space<vmem>>, vector<1x1x512xf32>
    %swap3A_181 = vector.shape_cast %swap3A_180 : vector<1x1x512xf32> to vector<512xf32>
    %swap3A_182 = vector.shape_cast %add3A_176 : vector<512xf32> to vector<1x1x512xf32>
    tpu.vector_store %arg4[%swap3A_177, %swap3A_178, %swap3A_179], %swap3A_182 {strides = array<i32>} : memref<3x19x512xf32, #tpu.memory_space<vmem>>, vector<1x1x512xf32>,
    %get3A_183 = arith.constant 0 : index
    %get3A_184 = arith.constant 1 : index
    %get3A_185 = arith.constant 0 : index
    %get3A_186 = arith.constant 0 : index
    %get3A_187 = vector.load %arg2[%get3A_183, %get3A_184, %get3A_185, %get3A_186] : memref<1x19x256x512xf32, #tpu.memory_space<vmem>>, vector<1x1x256x512xf32>
    %get3A_188 = vector.shape_cast %get3A_187 : vector<1x1x256x512xf32> to vector<256x512xf32>
    %sub3A_189 = arith.subf %get3A_188, %max3A_139 : vector<256x512xf32>
    %exp3A_190 = math.exp %sub3A_189 : vector<256x512xf32>
    %add3A_191 = arith.addf %add3A, %exp3A_190 : vector<256x512xf32>
    %eq3A_192 = arith.constant 1 : i32
    %eq3A_193 = vector.broadcast %eq3A_192 : i32 to vector<256x512xi32>
    %eq3A_194 = arith.cmpi eq, %get3A_7, %eq3A_193 : vector<256x512xi32>
    %convert_element_type3A_195 = arith.extui %eq3A_194 : vector<256x512xi1> to vector<256x512xi32>
    %convert_element_type3A_196 = arith.sitofp %convert_element_type3A_195 : vector<256x512xi32> to vector<256x512xf32>
    %lt3A_197 = arith.cmpf olt, %get3A_188, %max3A_139 : vector<256x512xf32>
    %convert_element_type3A_198 = arith.extui %lt3A_197 : vector<256x512xi1> to vector<256x512xi32>
    %convert_element_type3A_199 = arith.sitofp %convert_element_type3A_198 : vector<256x512xi32> to vector<256x512xf32>
    %mul3A_200 = arith.mulf %convert_element_type3A_196, %convert_element_type3A_199 : vector<256x512xf32>
    %mul3A_201 = arith.mulf %convert_element_type3A_196, %get3A_188 : vector<256x512xf32>
    %get3A_202 = arith.constant 0 : index
    %get3A_203 = arith.constant 1 : index
    %get3A_204 = arith.constant 0 : index
    %get3A_205 = vector.load %arg4[%get3A_202, %get3A_203, %get3A_204] : memref<3x19x512xf32, #tpu.memory_space<vmem>>, vector<1x1x512xf32>
    %get3A_206 = vector.shape_cast %get3A_205 : vector<1x1x512xf32> to vector<512xf32>
    %dot_general3A_207 = arith.constant dense<0.000000e+00> : vector<1x512xf32>
    %dot_general3A_208 = tpu.matmul %broadcast_in_dim3A_8, %mul3A_200, %dot_general3A_207 {dimension_numbers = #tpu.dot_dimension_numbers<[1], [0], [0], [1], [0, 0, 1, 1], [], []>, transpose_lhs_hint = false} : vector<1x256xf32>, vector<256x512xf32>, vector<1x512xf32> -> vector<1x512xf32>
    %squeeze3A_209 = vector.shape_cast %dot_general3A_208 : vector<1x512xf32> to vector<512xf32>
    %add3A_210 = arith.addf %get3A_206, %squeeze3A_209 : vector<512xf32>
    %swap3A_211 = arith.constant 0 : index
    %swap3A_212 = arith.constant 1 : index
    %swap3A_213 = arith.constant 0 : index
    %swap3A_214 = vector.load %arg4[%swap3A_211, %swap3A_212, %swap3A_213] : memref<3x19x512xf32, #tpu.memory_space<vmem>>, vector<1x1x512xf32>
    %swap3A_215 = vector.shape_cast %swap3A_214 : vector<1x1x512xf32> to vector<512xf32>
    %swap3A_216 = vector.shape_cast %add3A_210 : vector<512xf32> to vector<1x1x512xf32>
    tpu.vector_store %arg4[%swap3A_211, %swap3A_212, %swap3A_213], %swap3A_216 {strides = array<i32>} : memref<3x19x512xf32, #tpu.memory_space<vmem>>, vector<1x1x512xf32>,
    %get3A_217 = arith.constant 1 : index
    %get3A_218 = arith.constant 1 : index
    %get3A_219 = arith.constant 0 : index
    %get3A_220 = vector.load %arg4[%get3A_217, %get3A_218, %get3A_219] : memref<3x19x512xf32, #tpu.memory_space<vmem>>, vector<1x1x512xf32>
    %get3A_221 = vector.shape_cast %get3A_220 : vector<1x1x512xf32> to vector<512xf32>
    %dot_general3A_222 = arith.constant dense<0.000000e+00> : vector<1x512xf32>
    %dot_general3A_223 = tpu.matmul %broadcast_in_dim3A_8, %mul3A_201, %dot_general3A_222 {dimension_numbers = #tpu.dot_dimension_numbers<[1], [0], [0], [1], [0, 0, 1, 1], [], []>, transpose_lhs_hint = false} : vector<1x256xf32>, vector<256x512xf32>, vector<1x512xf32> -> vector<1x512xf32>
    %squeeze3A_224 = vector.shape_cast %dot_general3A_223 : vector<1x512xf32> to vector<512xf32>
    %add3A_225 = arith.addf %get3A_221, %squeeze3A_224 : vector<512xf32>
    %swap3A_226 = arith.constant 1 : index
    %swap3A_227 = arith.constant 1 : index
    %swap3A_228 = arith.constant 0 : index
    %swap3A_229 = vector.load %arg4[%swap3A_226, %swap3A_227, %swap3A_228] : memref<3x19x512xf32, #tpu.memory_space<vmem>>, vector<1x1x512xf32>
    %swap3A_230 = vector.shape_cast %swap3A_229 : vector<1x1x512xf32> to vector<512xf32>
    %swap3A_231 = vector.shape_cast %add3A_225 : vector<512xf32> to vector<1x1x512xf32>
    tpu.vector_store %arg4[%swap3A_226, %swap3A_227, %swap3A_228], %swap3A_231 {strides = array<i32>} : memref<3x19x512xf32, #tpu.memory_space<vmem>>, vector<1x1x512xf32>,
    %get3A_232 = arith.constant 0 : index
    %get3A_233 = arith.constant 2 : index
    %get3A_234 = arith.constant 0 : index
    %get3A_235 = arith.constant 0 : index
    %get3A_236 = vector.load %arg2[%get3A_232, %get3A_233, %get3A_234, %get3A_235] : memref<1x19x256x512xf32, #tpu.memory_space<vmem>>, vector<1x1x256x512xf32>
    %get3A_237 = vector.shape_cast %get3A_236 : vector<1x1x256x512xf32> to vector<256x512xf32>
    %sub3A_238 = arith.subf %get3A_237, %max3A_139 : vector<256x512xf32>
    %exp3A_239 = math.exp %sub3A_238 : vector<256x512xf32>
    %add3A_240 = arith.addf %add3A_191, %exp3A_239 : vector<256x512xf32>
    %eq3A_241 = arith.constant 2 : i32
    %eq3A_242 = vector.broadcast %eq3A_241 : i32 to vector<256x512xi32>
    %eq3A_243 = arith.cmpi eq, %get3A_7, %eq3A_242 : vector<256x512xi32>
    %convert_element_type3A_244 = arith.extui %eq3A_243 : vector<256x512xi1> to vector<256x512xi32>
    %convert_element_type3A_245 = arith.sitofp %convert_element_type3A_244 : vector<256x512xi32> to vector<256x512xf32>
    %lt3A_246 = arith.cmpf olt, %get3A_237, %max3A_139 : vector<256x512xf32>
    %convert_element_type3A_247 = arith.extui %lt3A_246 : vector<256x512xi1> to vector<256x512xi32>
    %convert_element_type3A_248 = arith.sitofp %convert_element_type3A_247 : vector<256x512xi32> to vector<256x512xf32>
    %mul3A_249 = arith.mulf %convert_element_type3A_245, %convert_element_type3A_248 : vector<256x512xf32>
    %mul3A_250 = arith.mulf %convert_element_type3A_245, %get3A_237 : vector<256x512xf32>
    %get3A_251 = arith.constant 0 : index
    %get3A_252 = arith.constant 2 : index
    %get3A_253 = arith.constant 0 : index
    %get3A_254 = vector.load %arg4[%get3A_251, %get3A_252, %get3A_253] : memref<3x19x512xf32, #tpu.memory_space<vmem>>, vector<1x1x512xf32>
    %get3A_255 = vector.shape_cast %get3A_254 : vector<1x1x512xf32> to vector<512xf32>
    %dot_general3A_256 = arith.constant dense<0.000000e+00> : vector<1x512xf32>
    %dot_general3A_257 = tpu.matmul %broadcast_in_dim3A_8, %mul3A_249, %dot_general3A_256 {dimension_numbers = #tpu.dot_dimension_numbers<[1], [0], [0], [1], [0, 0, 1, 1], [], []>, transpose_lhs_hint = false} : vector<1x256xf32>, vector<256x512xf32>, vector<1x512xf32> -> vector<1x512xf32>
    %squeeze3A_258 = vector.shape_cast %dot_general3A_257 : vector<1x512xf32> to vector<512xf32>
    %add3A_259 = arith.addf %get3A_255, %squeeze3A_258 : vector<512xf32>
    %swap3A_260 = arith.constant 0 : index
    %swap3A_261 = arith.constant 2 : index
    %swap3A_262 = arith.constant 0 : index
    %swap3A_263 = vector.load %arg4[%swap3A_260, %swap3A_261, %swap3A_262] : memref<3x19x512xf32, #tpu.memory_space<vmem>>, vector<1x1x512xf32>
    %swap3A_264 = vector.shape_cast %swap3A_263 : vector<1x1x512xf32> to vector<512xf32>
    %swap3A_265 = vector.shape_cast %add3A_259 : vector<512xf32> to vector<1x1x512xf32>
    tpu.vector_store %arg4[%swap3A_260, %swap3A_261, %swap3A_262], %swap3A_265 {strides = array<i32>} : memref<3x19x512xf32, #tpu.memory_space<vmem>>, vector<1x1x512xf32>,
    %get3A_266 = arith.constant 1 : index
    %get3A_267 = arith.constant 2 : index
    %get3A_268 = arith.constant 0 : index
    %get3A_269 = vector.load %arg4[%get3A_266, %get3A_267, %get3A_268] : memref<3x19x512xf32, #tpu.memory_space<vmem>>, vector<1x1x512xf32>
    %get3A_270 = vector.shape_cast %get3A_269 : vector<1x1x512xf32> to vector<512xf32>
    %dot_general3A_271 = arith.constant dense<0.000000e+00> : vector<1x512xf32>
    %dot_general3A_272 = tpu.matmul %broadcast_in_dim3A_8, %mul3A_250, %dot_general3A_271 {dimension_numbers = #tpu.dot_dimension_numbers<[1], [0], [0], [1], [0, 0, 1, 1], [], []>, transpose_lhs_hint = false} : vector<1x256xf32>, vector<256x512xf32>, vector<1x512xf32> -> vector<1x512xf32>
    %squeeze3A_273 = vector.shape_cast %dot_general3A_272 : vector<1x512xf32> to vector<512xf32>
    %add3A_274 = arith.addf %get3A_270, %squeeze3A_273 : vector<512xf32>
    %swap3A_275 = arith.constant 1 : index
    %swap3A_276 = arith.constant 2 : index
    %swap3A_277 = arith.constant 0 : index
    %swap3A_278 = vector.load %arg4[%swap3A_275, %swap3A_276, %swap3A_277] : memref<3x19x512xf32, #tpu.memory_space<vmem>>, vector<1x1x512xf32>
    %swap3A_279 = vector.shape_cast %swap3A_278 : vector<1x1x512xf32> to vector<512xf32>
    %swap3A_280 = vector.shape_cast %add3A_274 : vector<512xf32> to vector<1x1x512xf32>
    tpu.vector_store %arg4[%swap3A_275, %swap3A_276, %swap3A_277], %swap3A_280 {strides = array<i32>} : memref<3x19x512xf32, #tpu.memory_space<vmem>>, vector<1x1x512xf32>,
    %get3A_281 = arith.constant 0 : index
    %get3A_282 = arith.constant 3 : index
    %get3A_283 = arith.constant 0 : index
    %get3A_284 = arith.constant 0 : index
    %get3A_285 = vector.load %arg2[%get3A_281, %get3A_282, %get3A_283, %get3A_284] : memref<1x19x256x512xf32, #tpu.memory_space<vmem>>, vector<1x1x256x512xf32>
    %get3A_286 = vector.shape_cast %get3A_285 : vector<1x1x256x512xf32> to vector<256x512xf32>
    %sub3A_287 = arith.subf %get3A_286, %max3A_139 : vector<256x512xf32>
    %exp3A_288 = math.exp %sub3A_287 : vector<256x512xf32>
    %add3A_289 = arith.addf %add3A_240, %exp3A_288 : vector<256x512xf32>
    %eq3A_290 = arith.constant 3 : i32
    %eq3A_291 = vector.broadcast %eq3A_290 : i32 to vector<256x512xi32>
    %eq3A_292 = arith.cmpi eq, %get3A_7, %eq3A_291 : vector<256x512xi32>
    %convert_element_type3A_293 = arith.extui %eq3A_292 : vector<256x512xi1> to vector<256x512xi32>
    %convert_element_type3A_294 = arith.sitofp %convert_element_type3A_293 : vector<256x512xi32> to vector<256x512xf32>
    %lt3A_295 = arith.cmpf olt, %get3A_286, %max3A_139 : vector<256x512xf32>
    %convert_element_type3A_296 = arith.extui %lt3A_295 : vector<256x512xi1> to vector<256x512xi32>
    %convert_element_type3A_297 = arith.sitofp %convert_element_type3A_296 : vector<256x512xi32> to vector<256x512xf32>
    %mul3A_298 = arith.mulf %convert_element_type3A_294, %convert_element_type3A_297 : vector<256x512xf32>
    %mul3A_299 = arith.mulf %convert_element_type3A_294, %get3A_286 : vector<256x512xf32>
    %get3A_300 = arith.constant 0 : index
    %get3A_301 = arith.constant 3 : index
    %get3A_302 = arith.constant 0 : index
    %get3A_303 = vector.load %arg4[%get3A_300, %get3A_301, %get3A_302] : memref<3x19x512xf32, #tpu.memory_space<vmem>>, vector<1x1x512xf32>
    %get3A_304 = vector.shape_cast %get3A_303 : vector<1x1x512xf32> to vector<512xf32>
    %dot_general3A_305 = arith.constant dense<0.000000e+00> : vector<1x512xf32>
    %dot_general3A_306 = tpu.matmul %broadcast_in_dim3A_8, %mul3A_298, %dot_general3A_305 {dimension_numbers = #tpu.dot_dimension_numbers<[1], [0], [0], [1], [0, 0, 1, 1], [], []>, transpose_lhs_hint = false} : vector<1x256xf32>, vector<256x512xf32>, vector<1x512xf32> -> vector<1x512xf32>
    %squeeze3A_307 = vector.shape_cast %dot_general3A_306 : vector<1x512xf32> to vector<512xf32>
    %add3A_308 = arith.addf %get3A_304, %squeeze3A_307 : vector<512xf32>
    %swap3A_309 = arith.constant 0 : index
    %swap3A_310 = arith.constant 3 : index
    %swap3A_311 = arith.constant 0 : index
    %swap3A_312 = vector.load %arg4[%swap3A_309, %swap3A_310, %swap3A_311] : memref<3x19x512xf32, #tpu.memory_space<vmem>>, vector<1x1x512xf32>
    %swap3A_313 = vector.shape_cast %swap3A_312 : vector<1x1x512xf32> to vector<512xf32>
    %swap3A_314 = vector.shape_cast %add3A_308 : vector<512xf32> to vector<1x1x512xf32>
    tpu.vector_store %arg4[%swap3A_309, %swap3A_310, %swap3A_311], %swap3A_314 {strides = array<i32>} : memref<3x19x512xf32, #tpu.memory_space<vmem>>, vector<1x1x512xf32>,
    %get3A_315 = arith.constant 1 : index
    %get3A_316 = arith.constant 3 : index
    %get3A_317 = arith.constant 0 : index
    %get3A_318 = vector.load %arg4[%get3A_315, %get3A_316, %get3A_317] : memref<3x19x512xf32, #tpu.memory_space<vmem>>, vector<1x1x512xf32>
    %get3A_319 = vector.shape_cast %get3A_318 : vector<1x1x512xf32> to vector<512xf32>
    %dot_general3A_320 = arith.constant dense<0.000000e+00> : vector<1x512xf32>
    %dot_general3A_321 = tpu.matmul %broadcast_in_dim3A_8, %mul3A_299, %dot_general3A_320 {dimension_numbers = #tpu.dot_dimension_numbers<[1], [0], [0], [1], [0, 0, 1, 1], [], []>, transpose_lhs_hint = false} : vector<1x256xf32>, vector<256x512xf32>, vector<1x512xf32> -> vector<1x512xf32>
    %squeeze3A_322 = vector.shape_cast %dot_general3A_321 : vector<1x512xf32> to vector<512xf32>
    %add3A_323 = arith.addf %get3A_319, %squeeze3A_322 : vector<512xf32>
    %swap3A_324 = arith.constant 1 : index
    %swap3A_325 = arith.constant 3 : index
    %swap3A_326 = arith.constant 0 : index
    %swap3A_327 = vector.load %arg4[%swap3A_324, %swap3A_325, %swap3A_326] : memref<3x19x512xf32, #tpu.memory_space<vmem>>, vector<1x1x512xf32>
    %swap3A_328 = vector.shape_cast %swap3A_327 : vector<1x1x512xf32> to vector<512xf32>
    %swap3A_329 = vector.shape_cast %add3A_323 : vector<512xf32> to vector<1x1x512xf32>
    tpu.vector_store %arg4[%swap3A_324, %swap3A_325, %swap3A_326], %swap3A_329 {strides = array<i32>} : memref<3x19x512xf32, #tpu.memory_space<vmem>>, vector<1x1x512xf32>,
    %get3A_330 = arith.constant 0 : index
    %get3A_331 = arith.constant 4 : index
    %get3A_332 = arith.constant 0 : index
    %get3A_333 = arith.constant 0 : index
    %get3A_334 = vector.load %arg2[%get3A_330, %get3A_331, %get3A_332, %get3A_333] : memref<1x19x256x512xf32, #tpu.memory_space<vmem>>, vector<1x1x256x512xf32>
    %get3A_335 = vector.shape_cast %get3A_334 : vector<1x1x256x512xf32> to vector<256x512xf32>
    %sub3A_336 = arith.subf %get3A_335, %max3A_139 : vector<256x512xf32>
    %exp3A_337 = math.exp %sub3A_336 : vector<256x512xf32>
    %add3A_338 = arith.addf %add3A_289, %exp3A_337 : vector<256x512xf32>
    %eq3A_339 = arith.constant 4 : i32
    %eq3A_340 = vector.broadcast %eq3A_339 : i32 to vector<256x512xi32>
    %eq3A_341 = arith.cmpi eq, %get3A_7, %eq3A_340 : vector<256x512xi32>
    %convert_element_type3A_342 = arith.extui %eq3A_341 : vector<256x512xi1> to vector<256x512xi32>
    %convert_element_type3A_343 = arith.sitofp %convert_element_type3A_342 : vector<256x512xi32> to vector<256x512xf32>
    %lt3A_344 = arith.cmpf olt, %get3A_335, %max3A_139 : vector<256x512xf32>
    %convert_element_type3A_345 = arith.extui %lt3A_344 : vector<256x512xi1> to vector<256x512xi32>
    %convert_element_type3A_346 = arith.sitofp %convert_element_type3A_345 : vector<256x512xi32> to vector<256x512xf32>
    %mul3A_347 = arith.mulf %convert_element_type3A_343, %convert_element_type3A_346 : vector<256x512xf32>
    %mul3A_348 = arith.mulf %convert_element_type3A_343, %get3A_335 : vector<256x512xf32>
    %get3A_349 = arith.constant 0 : index
    %get3A_350 = arith.constant 4 : index
    %get3A_351 = arith.constant 0 : index
    %get3A_352 = vector.load %arg4[%get3A_349, %get3A_350, %get3A_351] : memref<3x19x512xf32, #tpu.memory_space<vmem>>, vector<1x1x512xf32>
    %get3A_353 = vector.shape_cast %get3A_352 : vector<1x1x512xf32> to vector<512xf32>
    %dot_general3A_354 = arith.constant dense<0.000000e+00> : vector<1x512xf32>
    %dot_general3A_355 = tpu.matmul %broadcast_in_dim3A_8, %mul3A_347, %dot_general3A_354 {dimension_numbers = #tpu.dot_dimension_numbers<[1], [0], [0], [1], [0, 0, 1, 1], [], []>, transpose_lhs_hint = false} : vector<1x256xf32>, vector<256x512xf32>, vector<1x512xf32> -> vector<1x512xf32>
    %squeeze3A_356 = vector.shape_cast %dot_general3A_355 : vector<1x512xf32> to vector<512xf32>
    %add3A_357 = arith.addf %get3A_353, %squeeze3A_356 : vector<512xf32>
    %swap3A_358 = arith.constant 0 : index
    %swap3A_359 = arith.constant 4 : index
    %swap3A_360 = arith.constant 0 : index
    %swap3A_361 = vector.load %arg4[%swap3A_358, %swap3A_359, %swap3A_360] : memref<3x19x512xf32, #tpu.memory_space<vmem>>, vector<1x1x512xf32>
    %swap3A_362 = vector.shape_cast %swap3A_361 : vector<1x1x512xf32> to vector<512xf32>
    %swap3A_363 = vector.shape_cast %add3A_357 : vector<512xf32> to vector<1x1x512xf32>
    tpu.vector_store %arg4[%swap3A_358, %swap3A_359, %swap3A_360], %swap3A_363 {strides = array<i32>} : memref<3x19x512xf32, #tpu.memory_space<vmem>>, vector<1x1x512xf32>,
    %get3A_364 = arith.constant 1 : index
    %get3A_365 = arith.constant 4 : index
    %get3A_366 = arith.constant 0 : index
    %get3A_367 = vector.load %arg4[%get3A_364, %get3A_365, %get3A_366] : memref<3x19x512xf32, #tpu.memory_space<vmem>>, vector<1x1x512xf32>
    %get3A_368 = vector.shape_cast %get3A_367 : vector<1x1x512xf32> to vector<512xf32>
    %dot_general3A_369 = arith.constant dense<0.000000e+00> : vector<1x512xf32>
    %dot_general3A_370 = tpu.matmul %broadcast_in_dim3A_8, %mul3A_348, %dot_general3A_369 {dimension_numbers = #tpu.dot_dimension_numbers<[1], [0], [0], [1], [0, 0, 1, 1], [], []>, transpose_lhs_hint = false} : vector<1x256xf32>, vector<256x512xf32>, vector<1x512xf32> -> vector<1x512xf32>
    %squeeze3A_371 = vector.shape_cast %dot_general3A_370 : vector<1x512xf32> to vector<512xf32>
    %add3A_372 = arith.addf %get3A_368, %squeeze3A_371 : vector<512xf32>
    %swap3A_373 = arith.constant 1 : index
    %swap3A_374 = arith.constant 4 : index
    %swap3A_375 = arith.constant 0 : index
    %swap3A_376 = vector.load %arg4[%swap3A_373, %swap3A_374, %swap3A_375] : memref<3x19x512xf32, #tpu.memory_space<vmem>>, vector<1x1x512xf32>
    %swap3A_377 = vector.shape_cast %swap3A_376 : vector<1x1x512xf32> to vector<512xf32>
    %swap3A_378 = vector.shape_cast %add3A_372 : vector<512xf32> to vector<1x1x512xf32>
    tpu.vector_store %arg4[%swap3A_373, %swap3A_374, %swap3A_375], %swap3A_378 {strides = array<i32>} : memref<3x19x512xf32, #tpu.memory_space<vmem>>, vector<1x1x512xf32>,
    %get3A_379 = arith.constant 0 : index
    %get3A_380 = arith.constant 5 : index
    %get3A_381 = arith.constant 0 : index
    %get3A_382 = arith.constant 0 : index
    %get3A_383 = vector.load %arg2[%get3A_379, %get3A_380, %get3A_381, %get3A_382] : memref<1x19x256x512xf32, #tpu.memory_space<vmem>>, vector<1x1x256x512xf32>
    %get3A_384 = vector.shape_cast %get3A_383 : vector<1x1x256x512xf32> to vector<256x512xf32>
    %sub3A_385 = arith.subf %get3A_384, %max3A_139 : vector<256x512xf32>
    %exp3A_386 = math.exp %sub3A_385 : vector<256x512xf32>
    %add3A_387 = arith.addf %add3A_338, %exp3A_386 : vector<256x512xf32>
    %eq3A_388 = arith.constant 5 : i32
    %eq3A_389 = vector.broadcast %eq3A_388 : i32 to vector<256x512xi32>
    %eq3A_390 = arith.cmpi eq, %get3A_7, %eq3A_389 : vector<256x512xi32>
    %convert_element_type3A_391 = arith.extui %eq3A_390 : vector<256x512xi1> to vector<256x512xi32>
    %convert_element_type3A_392 = arith.sitofp %convert_element_type3A_391 : vector<256x512xi32> to vector<256x512xf32>
    %lt3A_393 = arith.cmpf olt, %get3A_384, %max3A_139 : vector<256x512xf32>
    %convert_element_type3A_394 = arith.extui %lt3A_393 : vector<256x512xi1> to vector<256x512xi32>
    %convert_element_type3A_395 = arith.sitofp %convert_element_type3A_394 : vector<256x512xi32> to vector<256x512xf32>
    %mul3A_396 = arith.mulf %convert_element_type3A_392, %convert_element_type3A_395 : vector<256x512xf32>
    %mul3A_397 = arith.mulf %convert_element_type3A_392, %get3A_384 : vector<256x512xf32>
    %get3A_398 = arith.constant 0 : index
    %get3A_399 = arith.constant 5 : index
    %get3A_400 = arith.constant 0 : index
    %get3A_401 = vector.load %arg4[%get3A_398, %get3A_399, %get3A_400] : memref<3x19x512xf32, #tpu.memory_space<vmem>>, vector<1x1x512xf32>
    %get3A_402 = vector.shape_cast %get3A_401 : vector<1x1x512xf32> to vector<512xf32>
    %dot_general3A_403 = arith.constant dense<0.000000e+00> : vector<1x512xf32>
    %dot_general3A_404 = tpu.matmul %broadcast_in_dim3A_8, %mul3A_396, %dot_general3A_403 {dimension_numbers = #tpu.dot_dimension_numbers<[1], [0], [0], [1], [0, 0, 1, 1], [], []>, transpose_lhs_hint = false} : vector<1x256xf32>, vector<256x512xf32>, vector<1x512xf32> -> vector<1x512xf32>
    %squeeze3A_405 = vector.shape_cast %dot_general3A_404 : vector<1x512xf32> to vector<512xf32>
    %add3A_406 = arith.addf %get3A_402, %squeeze3A_405 : vector<512xf32>
    %swap3A_407 = arith.constant 0 : index
    %swap3A_408 = arith.constant 5 : index
    %swap3A_409 = arith.constant 0 : index
    %swap3A_410 = vector.load %arg4[%swap3A_407, %swap3A_408, %swap3A_409] : memref<3x19x512xf32, #tpu.memory_space<vmem>>, vector<1x1x512xf32>
    %swap3A_411 = vector.shape_cast %swap3A_410 : vector<1x1x512xf32> to vector<512xf32>
    %swap3A_412 = vector.shape_cast %add3A_406 : vector<512xf32> to vector<1x1x512xf32>
    tpu.vector_store %arg4[%swap3A_407, %swap3A_408, %swap3A_409], %swap3A_412 {strides = array<i32>} : memref<3x19x512xf32, #tpu.memory_space<vmem>>, vector<1x1x512xf32>,
    %get3A_413 = arith.constant 1 : index
    %get3A_414 = arith.constant 5 : index
    %get3A_415 = arith.constant 0 : index
    %get3A_416 = vector.load %arg4[%get3A_413, %get3A_414, %get3A_415] : memref<3x19x512xf32, #tpu.memory_space<vmem>>, vector<1x1x512xf32>
    %get3A_417 = vector.shape_cast %get3A_416 : vector<1x1x512xf32> to vector<512xf32>
    %dot_general3A_418 = arith.constant dense<0.000000e+00> : vector<1x512xf32>
    %dot_general3A_419 = tpu.matmul %broadcast_in_dim3A_8, %mul3A_397, %dot_general3A_418 {dimension_numbers = #tpu.dot_dimension_numbers<[1], [0], [0], [1], [0, 0, 1, 1], [], []>, transpose_lhs_hint = false} : vector<1x256xf32>, vector<256x512xf32>, vector<1x512xf32> -> vector<1x512xf32>
    %squeeze3A_420 = vector.shape_cast %dot_general3A_419 : vector<1x512xf32> to vector<512xf32>
    %add3A_421 = arith.addf %get3A_417, %squeeze3A_420 : vector<512xf32>
    %swap3A_422 = arith.constant 1 : index
    %swap3A_423 = arith.constant 5 : index
    %swap3A_424 = arith.constant 0 : index
    %swap3A_425 = vector.load %arg4[%swap3A_422, %swap3A_423, %swap3A_424] : memref<3x19x512xf32, #tpu.memory_space<vmem>>, vector<1x1x512xf32>
    %swap3A_426 = vector.shape_cast %swap3A_425 : vector<1x1x512xf32> to vector<512xf32>
    %swap3A_427 = vector.shape_cast %add3A_421 : vector<512xf32> to vector<1x1x512xf32>
    tpu.vector_store %arg4[%swap3A_422, %swap3A_423, %swap3A_424], %swap3A_427 {strides = array<i32>} : memref<3x19x512xf32, #tpu.memory_space<vmem>>, vector<1x1x512xf32>,
    %get3A_428 = arith.constant 0 : index
    %get3A_429 = arith.constant 6 : index
    %get3A_430 = arith.constant 0 : index
    %get3A_431 = arith.constant 0 : index
    %get3A_432 = vector.load %arg2[%get3A_428, %get3A_429, %get3A_430, %get3A_431] : memref<1x19x256x512xf32, #tpu.memory_space<vmem>>, vector<1x1x256x512xf32>
    %get3A_433 = vector.shape_cast %get3A_432 : vector<1x1x256x512xf32> to vector<256x512xf32>
    %sub3A_434 = arith.subf %get3A_433, %max3A_139 : vector<256x512xf32>
    %exp3A_435 = math.exp %sub3A_434 : vector<256x512xf32>
    %add3A_436 = arith.addf %add3A_387, %exp3A_435 : vector<256x512xf32>
    %eq3A_437 = arith.constant 6 : i32
    %eq3A_438 = vector.broadcast %eq3A_437 : i32 to vector<256x512xi32>
    %eq3A_439 = arith.cmpi eq, %get3A_7, %eq3A_438 : vector<256x512xi32>
    %convert_element_type3A_440 = arith.extui %eq3A_439 : vector<256x512xi1> to vector<256x512xi32>
    %convert_element_type3A_441 = arith.sitofp %convert_element_type3A_440 : vector<256x512xi32> to vector<256x512xf32>
    %lt3A_442 = arith.cmpf olt, %get3A_433, %max3A_139 : vector<256x512xf32>
    %convert_element_type3A_443 = arith.extui %lt3A_442 : vector<256x512xi1> to vector<256x512xi32>
    %convert_element_type3A_444 = arith.sitofp %convert_element_type3A_443 : vector<256x512xi32> to vector<256x512xf32>
    %mul3A_445 = arith.mulf %convert_element_type3A_441, %convert_element_type3A_444 : vector<256x512xf32>
    %mul3A_446 = arith.mulf %convert_element_type3A_441, %get3A_433 : vector<256x512xf32>
    %get3A_447 = arith.constant 0 : index
    %get3A_448 = arith.constant 6 : index
    %get3A_449 = arith.constant 0 : index
    %get3A_450 = vector.load %arg4[%get3A_447, %get3A_448, %get3A_449] : memref<3x19x512xf32, #tpu.memory_space<vmem>>, vector<1x1x512xf32>
    %get3A_451 = vector.shape_cast %get3A_450 : vector<1x1x512xf32> to vector<512xf32>
    %dot_general3A_452 = arith.constant dense<0.000000e+00> : vector<1x512xf32>
    %dot_general3A_453 = tpu.matmul %broadcast_in_dim3A_8, %mul3A_445, %dot_general3A_452 {dimension_numbers = #tpu.dot_dimension_numbers<[1], [0], [0], [1], [0, 0, 1, 1], [], []>, transpose_lhs_hint = false} : vector<1x256xf32>, vector<256x512xf32>, vector<1x512xf32> -> vector<1x512xf32>
    %squeeze3A_454 = vector.shape_cast %dot_general3A_453 : vector<1x512xf32> to vector<512xf32>
    %add3A_455 = arith.addf %get3A_451, %squeeze3A_454 : vector<512xf32>
    %swap3A_456 = arith.constant 0 : index
    %swap3A_457 = arith.constant 6 : index
    %swap3A_458 = arith.constant 0 : index
    %swap3A_459 = vector.load %arg4[%swap3A_456, %swap3A_457, %swap3A_458] : memref<3x19x512xf32, #tpu.memory_space<vmem>>, vector<1x1x512xf32>
    %swap3A_460 = vector.shape_cast %swap3A_459 : vector<1x1x512xf32> to vector<512xf32>
    %swap3A_461 = vector.shape_cast %add3A_455 : vector<512xf32> to vector<1x1x512xf32>
    tpu.vector_store %arg4[%swap3A_456, %swap3A_457, %swap3A_458], %swap3A_461 {strides = array<i32>} : memref<3x19x512xf32, #tpu.memory_space<vmem>>, vector<1x1x512xf32>,
    %get3A_462 = arith.constant 1 : index
    %get3A_463 = arith.constant 6 : index
    %get3A_464 = arith.constant 0 : index
    %get3A_465 = vector.load %arg4[%get3A_462, %get3A_463, %get3A_464] : memref<3x19x512xf32, #tpu.memory_space<vmem>>, vector<1x1x512xf32>
    %get3A_466 = vector.shape_cast %get3A_465 : vector<1x1x512xf32> to vector<512xf32>
    %dot_general3A_467 = arith.constant dense<0.000000e+00> : vector<1x512xf32>
    %dot_general3A_468 = tpu.matmul %broadcast_in_dim3A_8, %mul3A_446, %dot_general3A_467 {dimension_numbers = #tpu.dot_dimension_numbers<[1], [0], [0], [1], [0, 0, 1, 1], [], []>, transpose_lhs_hint = false} : vector<1x256xf32>, vector<256x512xf32>, vector<1x512xf32> -> vector<1x512xf32>
    %squeeze3A_469 = vector.shape_cast %dot_general3A_468 : vector<1x512xf32> to vector<512xf32>
    %add3A_470 = arith.addf %get3A_466, %squeeze3A_469 : vector<512xf32>
    %swap3A_471 = arith.constant 1 : index
    %swap3A_472 = arith.constant 6 : index
    %swap3A_473 = arith.constant 0 : index
    %swap3A_474 = vector.load %arg4[%swap3A_471, %swap3A_472, %swap3A_473] : memref<3x19x512xf32, #tpu.memory_space<vmem>>, vector<1x1x512xf32>
    %swap3A_475 = vector.shape_cast %swap3A_474 : vector<1x1x512xf32> to vector<512xf32>
    %swap3A_476 = vector.shape_cast %add3A_470 : vector<512xf32> to vector<1x1x512xf32>
    tpu.vector_store %arg4[%swap3A_471, %swap3A_472, %swap3A_473], %swap3A_476 {strides = array<i32>} : memref<3x19x512xf32, #tpu.memory_space<vmem>>, vector<1x1x512xf32>,
    %get3A_477 = arith.constant 0 : index
    %get3A_478 = arith.constant 7 : index
    %get3A_479 = arith.constant 0 : index
    %get3A_480 = arith.constant 0 : index
    %get3A_481 = vector.load %arg2[%get3A_477, %get3A_478, %get3A_479, %get3A_480] : memref<1x19x256x512xf32, #tpu.memory_space<vmem>>, vector<1x1x256x512xf32>
    %get3A_482 = vector.shape_cast %get3A_481 : vector<1x1x256x512xf32> to vector<256x512xf32>
    %sub3A_483 = arith.subf %get3A_482, %max3A_139 : vector<256x512xf32>
    %exp3A_484 = math.exp %sub3A_483 : vector<256x512xf32>
    %add3A_485 = arith.addf %add3A_436, %exp3A_484 : vector<256x512xf32>
    %eq3A_486 = arith.constant 7 : i32
    %eq3A_487 = vector.broadcast %eq3A_486 : i32 to vector<256x512xi32>
    %eq3A_488 = arith.cmpi eq, %get3A_7, %eq3A_487 : vector<256x512xi32>
    %convert_element_type3A_489 = arith.extui %eq3A_488 : vector<256x512xi1> to vector<256x512xi32>
    %convert_element_type3A_490 = arith.sitofp %convert_element_type3A_489 : vector<256x512xi32> to vector<256x512xf32>
    %lt3A_491 = arith.cmpf olt, %get3A_482, %max3A_139 : vector<256x512xf32>
    %convert_element_type3A_492 = arith.extui %lt3A_491 : vector<256x512xi1> to vector<256x512xi32>
    %convert_element_type3A_493 = arith.sitofp %convert_element_type3A_492 : vector<256x512xi32> to vector<256x512xf32>
    %mul3A_494 = arith.mulf %convert_element_type3A_490, %convert_element_type3A_493 : vector<256x512xf32>
    %mul3A_495 = arith.mulf %convert_element_type3A_490, %get3A_482 : vector<256x512xf32>
    %get3A_496 = arith.constant 0 : index
    %get3A_497 = arith.constant 7 : index
    %get3A_498 = arith.constant 0 : index
    %get3A_499 = vector.load %arg4[%get3A_496, %get3A_497, %get3A_498] : memref<3x19x512xf32, #tpu.memory_space<vmem>>, vector<1x1x512xf32>
    %get3A_500 = vector.shape_cast %get3A_499 : vector<1x1x512xf32> to vector<512xf32>
    %dot_general3A_501 = arith.constant dense<0.000000e+00> : vector<1x512xf32>
    %dot_general3A_502 = tpu.matmul %broadcast_in_dim3A_8, %mul3A_494, %dot_general3A_501 {dimension_numbers = #tpu.dot_dimension_numbers<[1], [0], [0], [1], [0, 0, 1, 1], [], []>, transpose_lhs_hint = false} : vector<1x256xf32>, vector<256x512xf32>, vector<1x512xf32> -> vector<1x512xf32>
    %squeeze3A_503 = vector.shape_cast %dot_general3A_502 : vector<1x512xf32> to vector<512xf32>
    %add3A_504 = arith.addf %get3A_500, %squeeze3A_503 : vector<512xf32>
    %swap3A_505 = arith.constant 0 : index
    %swap3A_506 = arith.constant 7 : index
    %swap3A_507 = arith.constant 0 : index
    %swap3A_508 = vector.load %arg4[%swap3A_505, %swap3A_506, %swap3A_507] : memref<3x19x512xf32, #tpu.memory_space<vmem>>, vector<1x1x512xf32>
    %swap3A_509 = vector.shape_cast %swap3A_508 : vector<1x1x512xf32> to vector<512xf32>
    %swap3A_510 = vector.shape_cast %add3A_504 : vector<512xf32> to vector<1x1x512xf32>
    tpu.vector_store %arg4[%swap3A_505, %swap3A_506, %swap3A_507], %swap3A_510 {strides = array<i32>} : memref<3x19x512xf32, #tpu.memory_space<vmem>>, vector<1x1x512xf32>,
    %get3A_511 = arith.constant 1 : index
    %get3A_512 = arith.constant 7 : index
    %get3A_513 = arith.constant 0 : index
    %get3A_514 = vector.load %arg4[%get3A_511, %get3A_512, %get3A_513] : memref<3x19x512xf32, #tpu.memory_space<vmem>>, vector<1x1x512xf32>
    %get3A_515 = vector.shape_cast %get3A_514 : vector<1x1x512xf32> to vector<512xf32>
    %dot_general3A_516 = arith.constant dense<0.000000e+00> : vector<1x512xf32>
    %dot_general3A_517 = tpu.matmul %broadcast_in_dim3A_8, %mul3A_495, %dot_general3A_516 {dimension_numbers = #tpu.dot_dimension_numbers<[1], [0], [0], [1], [0, 0, 1, 1], [], []>, transpose_lhs_hint = false} : vector<1x256xf32>, vector<256x512xf32>, vector<1x512xf32> -> vector<1x512xf32>
    %squeeze3A_518 = vector.shape_cast %dot_general3A_517 : vector<1x512xf32> to vector<512xf32>
    %add3A_519 = arith.addf %get3A_515, %squeeze3A_518 : vector<512xf32>
    %swap3A_520 = arith.constant 1 : index
    %swap3A_521 = arith.constant 7 : index
    %swap3A_522 = arith.constant 0 : index
    %swap3A_523 = vector.load %arg4[%swap3A_520, %swap3A_521, %swap3A_522] : memref<3x19x512xf32, #tpu.memory_space<vmem>>, vector<1x1x512xf32>
    %swap3A_524 = vector.shape_cast %swap3A_523 : vector<1x1x512xf32> to vector<512xf32>
    %swap3A_525 = vector.shape_cast %add3A_519 : vector<512xf32> to vector<1x1x512xf32>
    tpu.vector_store %arg4[%swap3A_520, %swap3A_521, %swap3A_522], %swap3A_525 {strides = array<i32>} : memref<3x19x512xf32, #tpu.memory_space<vmem>>, vector<1x1x512xf32>,
    %get3A_526 = arith.constant 0 : index
    %get3A_527 = arith.constant 8 : index
    %get3A_528 = arith.constant 0 : index
    %get3A_529 = arith.constant 0 : index
    %get3A_530 = vector.load %arg2[%get3A_526, %get3A_527, %get3A_528, %get3A_529] : memref<1x19x256x512xf32, #tpu.memory_space<vmem>>, vector<1x1x256x512xf32>
    %get3A_531 = vector.shape_cast %get3A_530 : vector<1x1x256x512xf32> to vector<256x512xf32>
    %sub3A_532 = arith.subf %get3A_531, %max3A_139 : vector<256x512xf32>
    %exp3A_533 = math.exp %sub3A_532 : vector<256x512xf32>
    %add3A_534 = arith.addf %add3A_485, %exp3A_533 : vector<256x512xf32>
    %eq3A_535 = arith.constant 8 : i32
    %eq3A_536 = vector.broadcast %eq3A_535 : i32 to vector<256x512xi32>
    %eq3A_537 = arith.cmpi eq, %get3A_7, %eq3A_536 : vector<256x512xi32>
    %convert_element_type3A_538 = arith.extui %eq3A_537 : vector<256x512xi1> to vector<256x512xi32>
    %convert_element_type3A_539 = arith.sitofp %convert_element_type3A_538 : vector<256x512xi32> to vector<256x512xf32>
    %lt3A_540 = arith.cmpf olt, %get3A_531, %max3A_139 : vector<256x512xf32>
    %convert_element_type3A_541 = arith.extui %lt3A_540 : vector<256x512xi1> to vector<256x512xi32>
    %convert_element_type3A_542 = arith.sitofp %convert_element_type3A_541 : vector<256x512xi32> to vector<256x512xf32>
    %mul3A_543 = arith.mulf %convert_element_type3A_539, %convert_element_type3A_542 : vector<256x512xf32>
    %mul3A_544 = arith.mulf %convert_element_type3A_539, %get3A_531 : vector<256x512xf32>
    %get3A_545 = arith.constant 0 : index
    %get3A_546 = arith.constant 8 : index
    %get3A_547 = arith.constant 0 : index
    %get3A_548 = vector.load %arg4[%get3A_545, %get3A_546, %get3A_547] : memref<3x19x512xf32, #tpu.memory_space<vmem>>, vector<1x1x512xf32>
    %get3A_549 = vector.shape_cast %get3A_548 : vector<1x1x512xf32> to vector<512xf32>
    %dot_general3A_550 = arith.constant dense<0.000000e+00> : vector<1x512xf32>
    %dot_general3A_551 = tpu.matmul %broadcast_in_dim3A_8, %mul3A_543, %dot_general3A_550 {dimension_numbers = #tpu.dot_dimension_numbers<[1], [0], [0], [1], [0, 0, 1, 1], [], []>, transpose_lhs_hint = false} : vector<1x256xf32>, vector<256x512xf32>, vector<1x512xf32> -> vector<1x512xf32>
    %squeeze3A_552 = vector.shape_cast %dot_general3A_551 : vector<1x512xf32> to vector<512xf32>
    %add3A_553 = arith.addf %get3A_549, %squeeze3A_552 : vector<512xf32>
    %swap3A_554 = arith.constant 0 : index
    %swap3A_555 = arith.constant 8 : index
    %swap3A_556 = arith.constant 0 : index
    %swap3A_557 = vector.load %arg4[%swap3A_554, %swap3A_555, %swap3A_556] : memref<3x19x512xf32, #tpu.memory_space<vmem>>, vector<1x1x512xf32>
    %swap3A_558 = vector.shape_cast %swap3A_557 : vector<1x1x512xf32> to vector<512xf32>
    %swap3A_559 = vector.shape_cast %add3A_553 : vector<512xf32> to vector<1x1x512xf32>
    tpu.vector_store %arg4[%swap3A_554, %swap3A_555, %swap3A_556], %swap3A_559 {strides = array<i32>} : memref<3x19x512xf32, #tpu.memory_space<vmem>>, vector<1x1x512xf32>,
    %get3A_560 = arith.constant 1 : index
    %get3A_561 = arith.constant 8 : index
    %get3A_562 = arith.constant 0 : index
    %get3A_563 = vector.load %arg4[%get3A_560, %get3A_561, %get3A_562] : memref<3x19x512xf32, #tpu.memory_space<vmem>>, vector<1x1x512xf32>
    %get3A_564 = vector.shape_cast %get3A_563 : vector<1x1x512xf32> to vector<512xf32>
    %dot_general3A_565 = arith.constant dense<0.000000e+00> : vector<1x512xf32>
    %dot_general3A_566 = tpu.matmul %broadcast_in_dim3A_8, %mul3A_544, %dot_general3A_565 {dimension_numbers = #tpu.dot_dimension_numbers<[1], [0], [0], [1], [0, 0, 1, 1], [], []>, transpose_lhs_hint = false} : vector<1x256xf32>, vector<256x512xf32>, vector<1x512xf32> -> vector<1x512xf32>
    %squeeze3A_567 = vector.shape_cast %dot_general3A_566 : vector<1x512xf32> to vector<512xf32>
    %add3A_568 = arith.addf %get3A_564, %squeeze3A_567 : vector<512xf32>
    %swap3A_569 = arith.constant 1 : index
    %swap3A_570 = arith.constant 8 : index
    %swap3A_571 = arith.constant 0 : index
    %swap3A_572 = vector.load %arg4[%swap3A_569, %swap3A_570, %swap3A_571] : memref<3x19x512xf32, #tpu.memory_space<vmem>>, vector<1x1x512xf32>
    %swap3A_573 = vector.shape_cast %swap3A_572 : vector<1x1x512xf32> to vector<512xf32>
    %swap3A_574 = vector.shape_cast %add3A_568 : vector<512xf32> to vector<1x1x512xf32>
    tpu.vector_store %arg4[%swap3A_569, %swap3A_570, %swap3A_571], %swap3A_574 {strides = array<i32>} : memref<3x19x512xf32, #tpu.memory_space<vmem>>, vector<1x1x512xf32>,
    %get3A_575 = arith.constant 0 : index
    %get3A_576 = arith.constant 9 : index
    %get3A_577 = arith.constant 0 : index
    %get3A_578 = arith.constant 0 : index
    %get3A_579 = vector.load %arg2[%get3A_575, %get3A_576, %get3A_577, %get3A_578] : memref<1x19x256x512xf32, #tpu.memory_space<vmem>>, vector<1x1x256x512xf32>
    %get3A_580 = vector.shape_cast %get3A_579 : vector<1x1x256x512xf32> to vector<256x512xf32>
    %sub3A_581 = arith.subf %get3A_580, %max3A_139 : vector<256x512xf32>
    %exp3A_582 = math.exp %sub3A_581 : vector<256x512xf32>
    %add3A_583 = arith.addf %add3A_534, %exp3A_582 : vector<256x512xf32>
    %eq3A_584 = arith.constant 9 : i32
    %eq3A_585 = vector.broadcast %eq3A_584 : i32 to vector<256x512xi32>
    %eq3A_586 = arith.cmpi eq, %get3A_7, %eq3A_585 : vector<256x512xi32>
    %convert_element_type3A_587 = arith.extui %eq3A_586 : vector<256x512xi1> to vector<256x512xi32>
    %convert_element_type3A_588 = arith.sitofp %convert_element_type3A_587 : vector<256x512xi32> to vector<256x512xf32>
    %lt3A_589 = arith.cmpf olt, %get3A_580, %max3A_139 : vector<256x512xf32>
    %convert_element_type3A_590 = arith.extui %lt3A_589 : vector<256x512xi1> to vector<256x512xi32>
    %convert_element_type3A_591 = arith.sitofp %convert_element_type3A_590 : vector<256x512xi32> to vector<256x512xf32>
    %mul3A_592 = arith.mulf %convert_element_type3A_588, %convert_element_type3A_591 : vector<256x512xf32>
    %mul3A_593 = arith.mulf %convert_element_type3A_588, %get3A_580 : vector<256x512xf32>
    %get3A_594 = arith.constant 0 : index
    %get3A_595 = arith.constant 9 : index
    %get3A_596 = arith.constant 0 : index
    %get3A_597 = vector.load %arg4[%get3A_594, %get3A_595, %get3A_596] : memref<3x19x512xf32, #tpu.memory_space<vmem>>, vector<1x1x512xf32>
    %get3A_598 = vector.shape_cast %get3A_597 : vector<1x1x512xf32> to vector<512xf32>
    %dot_general3A_599 = arith.constant dense<0.000000e+00> : vector<1x512xf32>
    %dot_general3A_600 = tpu.matmul %broadcast_in_dim3A_8, %mul3A_592, %dot_general3A_599 {dimension_numbers = #tpu.dot_dimension_numbers<[1], [0], [0], [1], [0, 0, 1, 1], [], []>, transpose_lhs_hint = false} : vector<1x256xf32>, vector<256x512xf32>, vector<1x512xf32> -> vector<1x512xf32>
    %squeeze3A_601 = vector.shape_cast %dot_general3A_600 : vector<1x512xf32> to vector<512xf32>
    %add3A_602 = arith.addf %get3A_598, %squeeze3A_601 : vector<512xf32>
    %swap3A_603 = arith.constant 0 : index
    %swap3A_604 = arith.constant 9 : index
    %swap3A_605 = arith.constant 0 : index
    %swap3A_606 = vector.load %arg4[%swap3A_603, %swap3A_604, %swap3A_605] : memref<3x19x512xf32, #tpu.memory_space<vmem>>, vector<1x1x512xf32>
    %swap3A_607 = vector.shape_cast %swap3A_606 : vector<1x1x512xf32> to vector<512xf32>
    %swap3A_608 = vector.shape_cast %add3A_602 : vector<512xf32> to vector<1x1x512xf32>
    tpu.vector_store %arg4[%swap3A_603, %swap3A_604, %swap3A_605], %swap3A_608 {strides = array<i32>} : memref<3x19x512xf32, #tpu.memory_space<vmem>>, vector<1x1x512xf32>,
    %get3A_609 = arith.constant 1 : index
    %get3A_610 = arith.constant 9 : index
    %get3A_611 = arith.constant 0 : index
    %get3A_612 = vector.load %arg4[%get3A_609, %get3A_610, %get3A_611] : memref<3x19x512xf32, #tpu.memory_space<vmem>>, vector<1x1x512xf32>
    %get3A_613 = vector.shape_cast %get3A_612 : vector<1x1x512xf32> to vector<512xf32>
    %dot_general3A_614 = arith.constant dense<0.000000e+00> : vector<1x512xf32>
    %dot_general3A_615 = tpu.matmul %broadcast_in_dim3A_8, %mul3A_593, %dot_general3A_614 {dimension_numbers = #tpu.dot_dimension_numbers<[1], [0], [0], [1], [0, 0, 1, 1], [], []>, transpose_lhs_hint = false} : vector<1x256xf32>, vector<256x512xf32>, vector<1x512xf32> -> vector<1x512xf32>
    %squeeze3A_616 = vector.shape_cast %dot_general3A_615 : vector<1x512xf32> to vector<512xf32>
    %add3A_617 = arith.addf %get3A_613, %squeeze3A_616 : vector<512xf32>
    %swap3A_618 = arith.constant 1 : index
    %swap3A_619 = arith.constant 9 : index
    %swap3A_620 = arith.constant 0 : index
    %swap3A_621 = vector.load %arg4[%swap3A_618, %swap3A_619, %swap3A_620] : memref<3x19x512xf32, #tpu.memory_space<vmem>>, vector<1x1x512xf32>
    %swap3A_622 = vector.shape_cast %swap3A_621 : vector<1x1x512xf32> to vector<512xf32>
    %swap3A_623 = vector.shape_cast %add3A_617 : vector<512xf32> to vector<1x1x512xf32>
    tpu.vector_store %arg4[%swap3A_618, %swap3A_619, %swap3A_620], %swap3A_623 {strides = array<i32>} : memref<3x19x512xf32, #tpu.memory_space<vmem>>, vector<1x1x512xf32>,
    %get3A_624 = arith.constant 0 : index
    %get3A_625 = arith.constant 10 : index
    %get3A_626 = arith.constant 0 : index
    %get3A_627 = arith.constant 0 : index
    %get3A_628 = vector.load %arg2[%get3A_624, %get3A_625, %get3A_626, %get3A_627] : memref<1x19x256x512xf32, #tpu.memory_space<vmem>>, vector<1x1x256x512xf32>
    %get3A_629 = vector.shape_cast %get3A_628 : vector<1x1x256x512xf32> to vector<256x512xf32>
    %sub3A_630 = arith.subf %get3A_629, %max3A_139 : vector<256x512xf32>
    %exp3A_631 = math.exp %sub3A_630 : vector<256x512xf32>
    %add3A_632 = arith.addf %add3A_583, %exp3A_631 : vector<256x512xf32>
    %eq3A_633 = arith.constant 10 : i32
    %eq3A_634 = vector.broadcast %eq3A_633 : i32 to vector<256x512xi32>
    %eq3A_635 = arith.cmpi eq, %get3A_7, %eq3A_634 : vector<256x512xi32>
    %convert_element_type3A_636 = arith.extui %eq3A_635 : vector<256x512xi1> to vector<256x512xi32>
    %convert_element_type3A_637 = arith.sitofp %convert_element_type3A_636 : vector<256x512xi32> to vector<256x512xf32>
    %lt3A_638 = arith.cmpf olt, %get3A_629, %max3A_139 : vector<256x512xf32>
    %convert_element_type3A_639 = arith.extui %lt3A_638 : vector<256x512xi1> to vector<256x512xi32>
    %convert_element_type3A_640 = arith.sitofp %convert_element_type3A_639 : vector<256x512xi32> to vector<256x512xf32>
    %mul3A_641 = arith.mulf %convert_element_type3A_637, %convert_element_type3A_640 : vector<256x512xf32>
    %mul3A_642 = arith.mulf %convert_element_type3A_637, %get3A_629 : vector<256x512xf32>
    %get3A_643 = arith.constant 0 : index
    %get3A_644 = arith.constant 10 : index
    %get3A_645 = arith.constant 0 : index
    %get3A_646 = vector.load %arg4[%get3A_643, %get3A_644, %get3A_645] : memref<3x19x512xf32, #tpu.memory_space<vmem>>, vector<1x1x512xf32>
    %get3A_647 = vector.shape_cast %get3A_646 : vector<1x1x512xf32> to vector<512xf32>
    %dot_general3A_648 = arith.constant dense<0.000000e+00> : vector<1x512xf32>
    %dot_general3A_649 = tpu.matmul %broadcast_in_dim3A_8, %mul3A_641, %dot_general3A_648 {dimension_numbers = #tpu.dot_dimension_numbers<[1], [0], [0], [1], [0, 0, 1, 1], [], []>, transpose_lhs_hint = false} : vector<1x256xf32>, vector<256x512xf32>, vector<1x512xf32> -> vector<1x512xf32>
    %squeeze3A_650 = vector.shape_cast %dot_general3A_649 : vector<1x512xf32> to vector<512xf32>
    %add3A_651 = arith.addf %get3A_647, %squeeze3A_650 : vector<512xf32>
    %swap3A_652 = arith.constant 0 : index
    %swap3A_653 = arith.constant 10 : index
    %swap3A_654 = arith.constant 0 : index
    %swap3A_655 = vector.load %arg4[%swap3A_652, %swap3A_653, %swap3A_654] : memref<3x19x512xf32, #tpu.memory_space<vmem>>, vector<1x1x512xf32>
    %swap3A_656 = vector.shape_cast %swap3A_655 : vector<1x1x512xf32> to vector<512xf32>
    %swap3A_657 = vector.shape_cast %add3A_651 : vector<512xf32> to vector<1x1x512xf32>
    tpu.vector_store %arg4[%swap3A_652, %swap3A_653, %swap3A_654], %swap3A_657 {strides = array<i32>} : memref<3x19x512xf32, #tpu.memory_space<vmem>>, vector<1x1x512xf32>,
    %get3A_658 = arith.constant 1 : index
    %get3A_659 = arith.constant 10 : index
    %get3A_660 = arith.constant 0 : index
    %get3A_661 = vector.load %arg4[%get3A_658, %get3A_659, %get3A_660] : memref<3x19x512xf32, #tpu.memory_space<vmem>>, vector<1x1x512xf32>
    %get3A_662 = vector.shape_cast %get3A_661 : vector<1x1x512xf32> to vector<512xf32>
    %dot_general3A_663 = arith.constant dense<0.000000e+00> : vector<1x512xf32>
    %dot_general3A_664 = tpu.matmul %broadcast_in_dim3A_8, %mul3A_642, %dot_general3A_663 {dimension_numbers = #tpu.dot_dimension_numbers<[1], [0], [0], [1], [0, 0, 1, 1], [], []>, transpose_lhs_hint = false} : vector<1x256xf32>, vector<256x512xf32>, vector<1x512xf32> -> vector<1x512xf32>
    %squeeze3A_665 = vector.shape_cast %dot_general3A_664 : vector<1x512xf32> to vector<512xf32>
    %add3A_666 = arith.addf %get3A_662, %squeeze3A_665 : vector<512xf32>
    %swap3A_667 = arith.constant 1 : index
    %swap3A_668 = arith.constant 10 : index
    %swap3A_669 = arith.constant 0 : index
    %swap3A_670 = vector.load %arg4[%swap3A_667, %swap3A_668, %swap3A_669] : memref<3x19x512xf32, #tpu.memory_space<vmem>>, vector<1x1x512xf32>
    %swap3A_671 = vector.shape_cast %swap3A_670 : vector<1x1x512xf32> to vector<512xf32>
    %swap3A_672 = vector.shape_cast %add3A_666 : vector<512xf32> to vector<1x1x512xf32>
    tpu.vector_store %arg4[%swap3A_667, %swap3A_668, %swap3A_669], %swap3A_672 {strides = array<i32>} : memref<3x19x512xf32, #tpu.memory_space<vmem>>, vector<1x1x512xf32>,
    %get3A_673 = arith.constant 0 : index
    %get3A_674 = arith.constant 11 : index
    %get3A_675 = arith.constant 0 : index
    %get3A_676 = arith.constant 0 : index
    %get3A_677 = vector.load %arg2[%get3A_673, %get3A_674, %get3A_675, %get3A_676] : memref<1x19x256x512xf32, #tpu.memory_space<vmem>>, vector<1x1x256x512xf32>
    %get3A_678 = vector.shape_cast %get3A_677 : vector<1x1x256x512xf32> to vector<256x512xf32>
    %sub3A_679 = arith.subf %get3A_678, %max3A_139 : vector<256x512xf32>
    %exp3A_680 = math.exp %sub3A_679 : vector<256x512xf32>
    %add3A_681 = arith.addf %add3A_632, %exp3A_680 : vector<256x512xf32>
    %eq3A_682 = arith.constant 11 : i32
    %eq3A_683 = vector.broadcast %eq3A_682 : i32 to vector<256x512xi32>
    %eq3A_684 = arith.cmpi eq, %get3A_7, %eq3A_683 : vector<256x512xi32>
    %convert_element_type3A_685 = arith.extui %eq3A_684 : vector<256x512xi1> to vector<256x512xi32>
    %convert_element_type3A_686 = arith.sitofp %convert_element_type3A_685 : vector<256x512xi32> to vector<256x512xf32>
    %lt3A_687 = arith.cmpf olt, %get3A_678, %max3A_139 : vector<256x512xf32>
    %convert_element_type3A_688 = arith.extui %lt3A_687 : vector<256x512xi1> to vector<256x512xi32>
    %convert_element_type3A_689 = arith.sitofp %convert_element_type3A_688 : vector<256x512xi32> to vector<256x512xf32>
    %mul3A_690 = arith.mulf %convert_element_type3A_686, %convert_element_type3A_689 : vector<256x512xf32>
    %mul3A_691 = arith.mulf %convert_element_type3A_686, %get3A_678 : vector<256x512xf32>
    %get3A_692 = arith.constant 0 : index
    %get3A_693 = arith.constant 11 : index
    %get3A_694 = arith.constant 0 : index
    %get3A_695 = vector.load %arg4[%get3A_692, %get3A_693, %get3A_694] : memref<3x19x512xf32, #tpu.memory_space<vmem>>, vector<1x1x512xf32>
    %get3A_696 = vector.shape_cast %get3A_695 : vector<1x1x512xf32> to vector<512xf32>
    %dot_general3A_697 = arith.constant dense<0.000000e+00> : vector<1x512xf32>
    %dot_general3A_698 = tpu.matmul %broadcast_in_dim3A_8, %mul3A_690, %dot_general3A_697 {dimension_numbers = #tpu.dot_dimension_numbers<[1], [0], [0], [1], [0, 0, 1, 1], [], []>, transpose_lhs_hint = false} : vector<1x256xf32>, vector<256x512xf32>, vector<1x512xf32> -> vector<1x512xf32>
    %squeeze3A_699 = vector.shape_cast %dot_general3A_698 : vector<1x512xf32> to vector<512xf32>
    %add3A_700 = arith.addf %get3A_696, %squeeze3A_699 : vector<512xf32>
    %swap3A_701 = arith.constant 0 : index
    %swap3A_702 = arith.constant 11 : index
    %swap3A_703 = arith.constant 0 : index
    %swap3A_704 = vector.load %arg4[%swap3A_701, %swap3A_702, %swap3A_703] : memref<3x19x512xf32, #tpu.memory_space<vmem>>, vector<1x1x512xf32>
    %swap3A_705 = vector.shape_cast %swap3A_704 : vector<1x1x512xf32> to vector<512xf32>
    %swap3A_706 = vector.shape_cast %add3A_700 : vector<512xf32> to vector<1x1x512xf32>
    tpu.vector_store %arg4[%swap3A_701, %swap3A_702, %swap3A_703], %swap3A_706 {strides = array<i32>} : memref<3x19x512xf32, #tpu.memory_space<vmem>>, vector<1x1x512xf32>,
    %get3A_707 = arith.constant 1 : index
    %get3A_708 = arith.constant 11 : index
    %get3A_709 = arith.constant 0 : index
    %get3A_710 = vector.load %arg4[%get3A_707, %get3A_708, %get3A_709] : memref<3x19x512xf32, #tpu.memory_space<vmem>>, vector<1x1x512xf32>
    %get3A_711 = vector.shape_cast %get3A_710 : vector<1x1x512xf32> to vector<512xf32>
    %dot_general3A_712 = arith.constant dense<0.000000e+00> : vector<1x512xf32>
    %dot_general3A_713 = tpu.matmul %broadcast_in_dim3A_8, %mul3A_691, %dot_general3A_712 {dimension_numbers = #tpu.dot_dimension_numbers<[1], [0], [0], [1], [0, 0, 1, 1], [], []>, transpose_lhs_hint = false} : vector<1x256xf32>, vector<256x512xf32>, vector<1x512xf32> -> vector<1x512xf32>
    %squeeze3A_714 = vector.shape_cast %dot_general3A_713 : vector<1x512xf32> to vector<512xf32>
    %add3A_715 = arith.addf %get3A_711, %squeeze3A_714 : vector<512xf32>
    %swap3A_716 = arith.constant 1 : index
    %swap3A_717 = arith.constant 11 : index
    %swap3A_718 = arith.constant 0 : index
    %swap3A_719 = vector.load %arg4[%swap3A_716, %swap3A_717, %swap3A_718] : memref<3x19x512xf32, #tpu.memory_space<vmem>>, vector<1x1x512xf32>
    %swap3A_720 = vector.shape_cast %swap3A_719 : vector<1x1x512xf32> to vector<512xf32>
    %swap3A_721 = vector.shape_cast %add3A_715 : vector<512xf32> to vector<1x1x512xf32>
    tpu.vector_store %arg4[%swap3A_716, %swap3A_717, %swap3A_718], %swap3A_721 {strides = array<i32>} : memref<3x19x512xf32, #tpu.memory_space<vmem>>, vector<1x1x512xf32>,
    %get3A_722 = arith.constant 0 : index
    %get3A_723 = arith.constant 12 : index
    %get3A_724 = arith.constant 0 : index
    %get3A_725 = arith.constant 0 : index
    %get3A_726 = vector.load %arg2[%get3A_722, %get3A_723, %get3A_724, %get3A_725] : memref<1x19x256x512xf32, #tpu.memory_space<vmem>>, vector<1x1x256x512xf32>
    %get3A_727 = vector.shape_cast %get3A_726 : vector<1x1x256x512xf32> to vector<256x512xf32>
    %sub3A_728 = arith.subf %get3A_727, %max3A_139 : vector<256x512xf32>
    %exp3A_729 = math.exp %sub3A_728 : vector<256x512xf32>
    %add3A_730 = arith.addf %add3A_681, %exp3A_729 : vector<256x512xf32>
    %eq3A_731 = arith.constant 12 : i32
    %eq3A_732 = vector.broadcast %eq3A_731 : i32 to vector<256x512xi32>
    %eq3A_733 = arith.cmpi eq, %get3A_7, %eq3A_732 : vector<256x512xi32>
    %convert_element_type3A_734 = arith.extui %eq3A_733 : vector<256x512xi1> to vector<256x512xi32>
    %convert_element_type3A_735 = arith.sitofp %convert_element_type3A_734 : vector<256x512xi32> to vector<256x512xf32>
    %lt3A_736 = arith.cmpf olt, %get3A_727, %max3A_139 : vector<256x512xf32>
    %convert_element_type3A_737 = arith.extui %lt3A_736 : vector<256x512xi1> to vector<256x512xi32>
    %convert_element_type3A_738 = arith.sitofp %convert_element_type3A_737 : vector<256x512xi32> to vector<256x512xf32>
    %mul3A_739 = arith.mulf %convert_element_type3A_735, %convert_element_type3A_738 : vector<256x512xf32>
    %mul3A_740 = arith.mulf %convert_element_type3A_735, %get3A_727 : vector<256x512xf32>
    %get3A_741 = arith.constant 0 : index
    %get3A_742 = arith.constant 12 : index
    %get3A_743 = arith.constant 0 : index
    %get3A_744 = vector.load %arg4[%get3A_741, %get3A_742, %get3A_743] : memref<3x19x512xf32, #tpu.memory_space<vmem>>, vector<1x1x512xf32>
    %get3A_745 = vector.shape_cast %get3A_744 : vector<1x1x512xf32> to vector<512xf32>
    %dot_general3A_746 = arith.constant dense<0.000000e+00> : vector<1x512xf32>
    %dot_general3A_747 = tpu.matmul %broadcast_in_dim3A_8, %mul3A_739, %dot_general3A_746 {dimension_numbers = #tpu.dot_dimension_numbers<[1], [0], [0], [1], [0, 0, 1, 1], [], []>, transpose_lhs_hint = false} : vector<1x256xf32>, vector<256x512xf32>, vector<1x512xf32> -> vector<1x512xf32>
    %squeeze3A_748 = vector.shape_cast %dot_general3A_747 : vector<1x512xf32> to vector<512xf32>
    %add3A_749 = arith.addf %get3A_745, %squeeze3A_748 : vector<512xf32>
    %swap3A_750 = arith.constant 0 : index
    %swap3A_751 = arith.constant 12 : index
    %swap3A_752 = arith.constant 0 : index
    %swap3A_753 = vector.load %arg4[%swap3A_750, %swap3A_751, %swap3A_752] : memref<3x19x512xf32, #tpu.memory_space<vmem>>, vector<1x1x512xf32>
    %swap3A_754 = vector.shape_cast %swap3A_753 : vector<1x1x512xf32> to vector<512xf32>
    %swap3A_755 = vector.shape_cast %add3A_749 : vector<512xf32> to vector<1x1x512xf32>
    tpu.vector_store %arg4[%swap3A_750, %swap3A_751, %swap3A_752], %swap3A_755 {strides = array<i32>} : memref<3x19x512xf32, #tpu.memory_space<vmem>>, vector<1x1x512xf32>,
    %get3A_756 = arith.constant 1 : index
    %get3A_757 = arith.constant 12 : index
    %get3A_758 = arith.constant 0 : index
    %get3A_759 = vector.load %arg4[%get3A_756, %get3A_757, %get3A_758] : memref<3x19x512xf32, #tpu.memory_space<vmem>>, vector<1x1x512xf32>
    %get3A_760 = vector.shape_cast %get3A_759 : vector<1x1x512xf32> to vector<512xf32>
    %dot_general3A_761 = arith.constant dense<0.000000e+00> : vector<1x512xf32>
    %dot_general3A_762 = tpu.matmul %broadcast_in_dim3A_8, %mul3A_740, %dot_general3A_761 {dimension_numbers = #tpu.dot_dimension_numbers<[1], [0], [0], [1], [0, 0, 1, 1], [], []>, transpose_lhs_hint = false} : vector<1x256xf32>, vector<256x512xf32>, vector<1x512xf32> -> vector<1x512xf32>
    %squeeze3A_763 = vector.shape_cast %dot_general3A_762 : vector<1x512xf32> to vector<512xf32>
    %add3A_764 = arith.addf %get3A_760, %squeeze3A_763 : vector<512xf32>
    %swap3A_765 = arith.constant 1 : index
    %swap3A_766 = arith.constant 12 : index
    %swap3A_767 = arith.constant 0 : index
    %swap3A_768 = vector.load %arg4[%swap3A_765, %swap3A_766, %swap3A_767] : memref<3x19x512xf32, #tpu.memory_space<vmem>>, vector<1x1x512xf32>
    %swap3A_769 = vector.shape_cast %swap3A_768 : vector<1x1x512xf32> to vector<512xf32>
    %swap3A_770 = vector.shape_cast %add3A_764 : vector<512xf32> to vector<1x1x512xf32>
    tpu.vector_store %arg4[%swap3A_765, %swap3A_766, %swap3A_767], %swap3A_770 {strides = array<i32>} : memref<3x19x512xf32, #tpu.memory_space<vmem>>, vector<1x1x512xf32>,
    %get3A_771 = arith.constant 0 : index
    %get3A_772 = arith.constant 13 : index
    %get3A_773 = arith.constant 0 : index
    %get3A_774 = arith.constant 0 : index
    %get3A_775 = vector.load %arg2[%get3A_771, %get3A_772, %get3A_773, %get3A_774] : memref<1x19x256x512xf32, #tpu.memory_space<vmem>>, vector<1x1x256x512xf32>
    %get3A_776 = vector.shape_cast %get3A_775 : vector<1x1x256x512xf32> to vector<256x512xf32>
    %sub3A_777 = arith.subf %get3A_776, %max3A_139 : vector<256x512xf32>
    %exp3A_778 = math.exp %sub3A_777 : vector<256x512xf32>
    %add3A_779 = arith.addf %add3A_730, %exp3A_778 : vector<256x512xf32>
    %eq3A_780 = arith.constant 13 : i32
    %eq3A_781 = vector.broadcast %eq3A_780 : i32 to vector<256x512xi32>
    %eq3A_782 = arith.cmpi eq, %get3A_7, %eq3A_781 : vector<256x512xi32>
    %convert_element_type3A_783 = arith.extui %eq3A_782 : vector<256x512xi1> to vector<256x512xi32>
    %convert_element_type3A_784 = arith.sitofp %convert_element_type3A_783 : vector<256x512xi32> to vector<256x512xf32>
    %lt3A_785 = arith.cmpf olt, %get3A_776, %max3A_139 : vector<256x512xf32>
    %convert_element_type3A_786 = arith.extui %lt3A_785 : vector<256x512xi1> to vector<256x512xi32>
    %convert_element_type3A_787 = arith.sitofp %convert_element_type3A_786 : vector<256x512xi32> to vector<256x512xf32>
    %mul3A_788 = arith.mulf %convert_element_type3A_784, %convert_element_type3A_787 : vector<256x512xf32>
    %mul3A_789 = arith.mulf %convert_element_type3A_784, %get3A_776 : vector<256x512xf32>
    %get3A_790 = arith.constant 0 : index
    %get3A_791 = arith.constant 13 : index
    %get3A_792 = arith.constant 0 : index
    %get3A_793 = vector.load %arg4[%get3A_790, %get3A_791, %get3A_792] : memref<3x19x512xf32, #tpu.memory_space<vmem>>, vector<1x1x512xf32>
    %get3A_794 = vector.shape_cast %get3A_793 : vector<1x1x512xf32> to vector<512xf32>
    %dot_general3A_795 = arith.constant dense<0.000000e+00> : vector<1x512xf32>
    %dot_general3A_796 = tpu.matmul %broadcast_in_dim3A_8, %mul3A_788, %dot_general3A_795 {dimension_numbers = #tpu.dot_dimension_numbers<[1], [0], [0], [1], [0, 0, 1, 1], [], []>, transpose_lhs_hint = false} : vector<1x256xf32>, vector<256x512xf32>, vector<1x512xf32> -> vector<1x512xf32>
    %squeeze3A_797 = vector.shape_cast %dot_general3A_796 : vector<1x512xf32> to vector<512xf32>
    %add3A_798 = arith.addf %get3A_794, %squeeze3A_797 : vector<512xf32>
    %swap3A_799 = arith.constant 0 : index
    %swap3A_800 = arith.constant 13 : index
    %swap3A_801 = arith.constant 0 : index
    %swap3A_802 = vector.load %arg4[%swap3A_799, %swap3A_800, %swap3A_801] : memref<3x19x512xf32, #tpu.memory_space<vmem>>, vector<1x1x512xf32>
    %swap3A_803 = vector.shape_cast %swap3A_802 : vector<1x1x512xf32> to vector<512xf32>
    %swap3A_804 = vector.shape_cast %add3A_798 : vector<512xf32> to vector<1x1x512xf32>
    tpu.vector_store %arg4[%swap3A_799, %swap3A_800, %swap3A_801], %swap3A_804 {strides = array<i32>} : memref<3x19x512xf32, #tpu.memory_space<vmem>>, vector<1x1x512xf32>,
    %get3A_805 = arith.constant 1 : index
    %get3A_806 = arith.constant 13 : index
    %get3A_807 = arith.constant 0 : index
    %get3A_808 = vector.load %arg4[%get3A_805, %get3A_806, %get3A_807] : memref<3x19x512xf32, #tpu.memory_space<vmem>>, vector<1x1x512xf32>
    %get3A_809 = vector.shape_cast %get3A_808 : vector<1x1x512xf32> to vector<512xf32>
    %dot_general3A_810 = arith.constant dense<0.000000e+00> : vector<1x512xf32>
    %dot_general3A_811 = tpu.matmul %broadcast_in_dim3A_8, %mul3A_789, %dot_general3A_810 {dimension_numbers = #tpu.dot_dimension_numbers<[1], [0], [0], [1], [0, 0, 1, 1], [], []>, transpose_lhs_hint = false} : vector<1x256xf32>, vector<256x512xf32>, vector<1x512xf32> -> vector<1x512xf32>
    %squeeze3A_812 = vector.shape_cast %dot_general3A_811 : vector<1x512xf32> to vector<512xf32>
    %add3A_813 = arith.addf %get3A_809, %squeeze3A_812 : vector<512xf32>
    %swap3A_814 = arith.constant 1 : index
    %swap3A_815 = arith.constant 13 : index
    %swap3A_816 = arith.constant 0 : index
    %swap3A_817 = vector.load %arg4[%swap3A_814, %swap3A_815, %swap3A_816] : memref<3x19x512xf32, #tpu.memory_space<vmem>>, vector<1x1x512xf32>
    %swap3A_818 = vector.shape_cast %swap3A_817 : vector<1x1x512xf32> to vector<512xf32>
    %swap3A_819 = vector.shape_cast %add3A_813 : vector<512xf32> to vector<1x1x512xf32>
    tpu.vector_store %arg4[%swap3A_814, %swap3A_815, %swap3A_816], %swap3A_819 {strides = array<i32>} : memref<3x19x512xf32, #tpu.memory_space<vmem>>, vector<1x1x512xf32>,
    %get3A_820 = arith.constant 0 : index
    %get3A_821 = arith.constant 14 : index
    %get3A_822 = arith.constant 0 : index
    %get3A_823 = arith.constant 0 : index
    %get3A_824 = vector.load %arg2[%get3A_820, %get3A_821, %get3A_822, %get3A_823] : memref<1x19x256x512xf32, #tpu.memory_space<vmem>>, vector<1x1x256x512xf32>
    %get3A_825 = vector.shape_cast %get3A_824 : vector<1x1x256x512xf32> to vector<256x512xf32>
    %sub3A_826 = arith.subf %get3A_825, %max3A_139 : vector<256x512xf32>
    %exp3A_827 = math.exp %sub3A_826 : vector<256x512xf32>
    %add3A_828 = arith.addf %add3A_779, %exp3A_827 : vector<256x512xf32>
    %eq3A_829 = arith.constant 14 : i32
    %eq3A_830 = vector.broadcast %eq3A_829 : i32 to vector<256x512xi32>
    %eq3A_831 = arith.cmpi eq, %get3A_7, %eq3A_830 : vector<256x512xi32>
    %convert_element_type3A_832 = arith.extui %eq3A_831 : vector<256x512xi1> to vector<256x512xi32>
    %convert_element_type3A_833 = arith.sitofp %convert_element_type3A_832 : vector<256x512xi32> to vector<256x512xf32>
    %lt3A_834 = arith.cmpf olt, %get3A_825, %max3A_139 : vector<256x512xf32>
    %convert_element_type3A_835 = arith.extui %lt3A_834 : vector<256x512xi1> to vector<256x512xi32>
    %convert_element_type3A_836 = arith.sitofp %convert_element_type3A_835 : vector<256x512xi32> to vector<256x512xf32>
    %mul3A_837 = arith.mulf %convert_element_type3A_833, %convert_element_type3A_836 : vector<256x512xf32>
    %mul3A_838 = arith.mulf %convert_element_type3A_833, %get3A_825 : vector<256x512xf32>
    %get3A_839 = arith.constant 0 : index
    %get3A_840 = arith.constant 14 : index
    %get3A_841 = arith.constant 0 : index
    %get3A_842 = vector.load %arg4[%get3A_839, %get3A_840, %get3A_841] : memref<3x19x512xf32, #tpu.memory_space<vmem>>, vector<1x1x512xf32>
    %get3A_843 = vector.shape_cast %get3A_842 : vector<1x1x512xf32> to vector<512xf32>
    %dot_general3A_844 = arith.constant dense<0.000000e+00> : vector<1x512xf32>
    %dot_general3A_845 = tpu.matmul %broadcast_in_dim3A_8, %mul3A_837, %dot_general3A_844 {dimension_numbers = #tpu.dot_dimension_numbers<[1], [0], [0], [1], [0, 0, 1, 1], [], []>, transpose_lhs_hint = false} : vector<1x256xf32>, vector<256x512xf32>, vector<1x512xf32> -> vector<1x512xf32>
    %squeeze3A_846 = vector.shape_cast %dot_general3A_845 : vector<1x512xf32> to vector<512xf32>
    %add3A_847 = arith.addf %get3A_843, %squeeze3A_846 : vector<512xf32>
    %swap3A_848 = arith.constant 0 : index
    %swap3A_849 = arith.constant 14 : index
    %swap3A_850 = arith.constant 0 : index
    %swap3A_851 = vector.load %arg4[%swap3A_848, %swap3A_849, %swap3A_850] : memref<3x19x512xf32, #tpu.memory_space<vmem>>, vector<1x1x512xf32>
    %swap3A_852 = vector.shape_cast %swap3A_851 : vector<1x1x512xf32> to vector<512xf32>
    %swap3A_853 = vector.shape_cast %add3A_847 : vector<512xf32> to vector<1x1x512xf32>
    tpu.vector_store %arg4[%swap3A_848, %swap3A_849, %swap3A_850], %swap3A_853 {strides = array<i32>} : memref<3x19x512xf32, #tpu.memory_space<vmem>>, vector<1x1x512xf32>,
    %get3A_854 = arith.constant 1 : index
    %get3A_855 = arith.constant 14 : index
    %get3A_856 = arith.constant 0 : index
    %get3A_857 = vector.load %arg4[%get3A_854, %get3A_855, %get3A_856] : memref<3x19x512xf32, #tpu.memory_space<vmem>>, vector<1x1x512xf32>
    %get3A_858 = vector.shape_cast %get3A_857 : vector<1x1x512xf32> to vector<512xf32>
    %dot_general3A_859 = arith.constant dense<0.000000e+00> : vector<1x512xf32>
    %dot_general3A_860 = tpu.matmul %broadcast_in_dim3A_8, %mul3A_838, %dot_general3A_859 {dimension_numbers = #tpu.dot_dimension_numbers<[1], [0], [0], [1], [0, 0, 1, 1], [], []>, transpose_lhs_hint = false} : vector<1x256xf32>, vector<256x512xf32>, vector<1x512xf32> -> vector<1x512xf32>
    %squeeze3A_861 = vector.shape_cast %dot_general3A_860 : vector<1x512xf32> to vector<512xf32>
    %add3A_862 = arith.addf %get3A_858, %squeeze3A_861 : vector<512xf32>
    %swap3A_863 = arith.constant 1 : index
    %swap3A_864 = arith.constant 14 : index
    %swap3A_865 = arith.constant 0 : index
    %swap3A_866 = vector.load %arg4[%swap3A_863, %swap3A_864, %swap3A_865] : memref<3x19x512xf32, #tpu.memory_space<vmem>>, vector<1x1x512xf32>
    %swap3A_867 = vector.shape_cast %swap3A_866 : vector<1x1x512xf32> to vector<512xf32>
    %swap3A_868 = vector.shape_cast %add3A_862 : vector<512xf32> to vector<1x1x512xf32>
    tpu.vector_store %arg4[%swap3A_863, %swap3A_864, %swap3A_865], %swap3A_868 {strides = array<i32>} : memref<3x19x512xf32, #tpu.memory_space<vmem>>, vector<1x1x512xf32>,
    %get3A_869 = arith.constant 0 : index
    %get3A_870 = arith.constant 15 : index
    %get3A_871 = arith.constant 0 : index
    %get3A_872 = arith.constant 0 : index
    %get3A_873 = vector.load %arg2[%get3A_869, %get3A_870, %get3A_871, %get3A_872] : memref<1x19x256x512xf32, #tpu.memory_space<vmem>>, vector<1x1x256x512xf32>
    %get3A_874 = vector.shape_cast %get3A_873 : vector<1x1x256x512xf32> to vector<256x512xf32>
    %sub3A_875 = arith.subf %get3A_874, %max3A_139 : vector<256x512xf32>
    %exp3A_876 = math.exp %sub3A_875 : vector<256x512xf32>
    %add3A_877 = arith.addf %add3A_828, %exp3A_876 : vector<256x512xf32>
    %eq3A_878 = arith.constant 15 : i32
    %eq3A_879 = vector.broadcast %eq3A_878 : i32 to vector<256x512xi32>
    %eq3A_880 = arith.cmpi eq, %get3A_7, %eq3A_879 : vector<256x512xi32>
    %convert_element_type3A_881 = arith.extui %eq3A_880 : vector<256x512xi1> to vector<256x512xi32>
    %convert_element_type3A_882 = arith.sitofp %convert_element_type3A_881 : vector<256x512xi32> to vector<256x512xf32>
    %lt3A_883 = arith.cmpf olt, %get3A_874, %max3A_139 : vector<256x512xf32>
    %convert_element_type3A_884 = arith.extui %lt3A_883 : vector<256x512xi1> to vector<256x512xi32>
    %convert_element_type3A_885 = arith.sitofp %convert_element_type3A_884 : vector<256x512xi32> to vector<256x512xf32>
    %mul3A_886 = arith.mulf %convert_element_type3A_882, %convert_element_type3A_885 : vector<256x512xf32>
    %mul3A_887 = arith.mulf %convert_element_type3A_882, %get3A_874 : vector<256x512xf32>
    %get3A_888 = arith.constant 0 : index
    %get3A_889 = arith.constant 15 : index
    %get3A_890 = arith.constant 0 : index
    %get3A_891 = vector.load %arg4[%get3A_888, %get3A_889, %get3A_890] : memref<3x19x512xf32, #tpu.memory_space<vmem>>, vector<1x1x512xf32>
    %get3A_892 = vector.shape_cast %get3A_891 : vector<1x1x512xf32> to vector<512xf32>
    %dot_general3A_893 = arith.constant dense<0.000000e+00> : vector<1x512xf32>
    %dot_general3A_894 = tpu.matmul %broadcast_in_dim3A_8, %mul3A_886, %dot_general3A_893 {dimension_numbers = #tpu.dot_dimension_numbers<[1], [0], [0], [1], [0, 0, 1, 1], [], []>, transpose_lhs_hint = false} : vector<1x256xf32>, vector<256x512xf32>, vector<1x512xf32> -> vector<1x512xf32>
    %squeeze3A_895 = vector.shape_cast %dot_general3A_894 : vector<1x512xf32> to vector<512xf32>
    %add3A_896 = arith.addf %get3A_892, %squeeze3A_895 : vector<512xf32>
    %swap3A_897 = arith.constant 0 : index
    %swap3A_898 = arith.constant 15 : index
    %swap3A_899 = arith.constant 0 : index
    %swap3A_900 = vector.load %arg4[%swap3A_897, %swap3A_898, %swap3A_899] : memref<3x19x512xf32, #tpu.memory_space<vmem>>, vector<1x1x512xf32>
    %swap3A_901 = vector.shape_cast %swap3A_900 : vector<1x1x512xf32> to vector<512xf32>
    %swap3A_902 = vector.shape_cast %add3A_896 : vector<512xf32> to vector<1x1x512xf32>
    tpu.vector_store %arg4[%swap3A_897, %swap3A_898, %swap3A_899], %swap3A_902 {strides = array<i32>} : memref<3x19x512xf32, #tpu.memory_space<vmem>>, vector<1x1x512xf32>,
    %get3A_903 = arith.constant 1 : index
    %get3A_904 = arith.constant 15 : index
    %get3A_905 = arith.constant 0 : index
    %get3A_906 = vector.load %arg4[%get3A_903, %get3A_904, %get3A_905] : memref<3x19x512xf32, #tpu.memory_space<vmem>>, vector<1x1x512xf32>
    %get3A_907 = vector.shape_cast %get3A_906 : vector<1x1x512xf32> to vector<512xf32>
    %dot_general3A_908 = arith.constant dense<0.000000e+00> : vector<1x512xf32>
    %dot_general3A_909 = tpu.matmul %broadcast_in_dim3A_8, %mul3A_887, %dot_general3A_908 {dimension_numbers = #tpu.dot_dimension_numbers<[1], [0], [0], [1], [0, 0, 1, 1], [], []>, transpose_lhs_hint = false} : vector<1x256xf32>, vector<256x512xf32>, vector<1x512xf32> -> vector<1x512xf32>
    %squeeze3A_910 = vector.shape_cast %dot_general3A_909 : vector<1x512xf32> to vector<512xf32>
    %add3A_911 = arith.addf %get3A_907, %squeeze3A_910 : vector<512xf32>
    %swap3A_912 = arith.constant 1 : index
    %swap3A_913 = arith.constant 15 : index
    %swap3A_914 = arith.constant 0 : index
    %swap3A_915 = vector.load %arg4[%swap3A_912, %swap3A_913, %swap3A_914] : memref<3x19x512xf32, #tpu.memory_space<vmem>>, vector<1x1x512xf32>
    %swap3A_916 = vector.shape_cast %swap3A_915 : vector<1x1x512xf32> to vector<512xf32>
    %swap3A_917 = vector.shape_cast %add3A_911 : vector<512xf32> to vector<1x1x512xf32>
    tpu.vector_store %arg4[%swap3A_912, %swap3A_913, %swap3A_914], %swap3A_917 {strides = array<i32>} : memref<3x19x512xf32, #tpu.memory_space<vmem>>, vector<1x1x512xf32>,
    %get3A_918 = arith.constant 0 : index
    %get3A_919 = arith.constant 16 : index
    %get3A_920 = arith.constant 0 : index
    %get3A_921 = arith.constant 0 : index
    %get3A_922 = vector.load %arg2[%get3A_918, %get3A_919, %get3A_920, %get3A_921] : memref<1x19x256x512xf32, #tpu.memory_space<vmem>>, vector<1x1x256x512xf32>
    %get3A_923 = vector.shape_cast %get3A_922 : vector<1x1x256x512xf32> to vector<256x512xf32>
    %sub3A_924 = arith.subf %get3A_923, %max3A_139 : vector<256x512xf32>
    %exp3A_925 = math.exp %sub3A_924 : vector<256x512xf32>
    %add3A_926 = arith.addf %add3A_877, %exp3A_925 : vector<256x512xf32>
    %eq3A_927 = arith.constant 16 : i32
    %eq3A_928 = vector.broadcast %eq3A_927 : i32 to vector<256x512xi32>
    %eq3A_929 = arith.cmpi eq, %get3A_7, %eq3A_928 : vector<256x512xi32>
    %convert_element_type3A_930 = arith.extui %eq3A_929 : vector<256x512xi1> to vector<256x512xi32>
    %convert_element_type3A_931 = arith.sitofp %convert_element_type3A_930 : vector<256x512xi32> to vector<256x512xf32>
    %lt3A_932 = arith.cmpf olt, %get3A_923, %max3A_139 : vector<256x512xf32>
    %convert_element_type3A_933 = arith.extui %lt3A_932 : vector<256x512xi1> to vector<256x512xi32>
    %convert_element_type3A_934 = arith.sitofp %convert_element_type3A_933 : vector<256x512xi32> to vector<256x512xf32>
    %mul3A_935 = arith.mulf %convert_element_type3A_931, %convert_element_type3A_934 : vector<256x512xf32>
    %mul3A_936 = arith.mulf %convert_element_type3A_931, %get3A_923 : vector<256x512xf32>
    %get3A_937 = arith.constant 0 : index
    %get3A_938 = arith.constant 16 : index
    %get3A_939 = arith.constant 0 : index
    %get3A_940 = vector.load %arg4[%get3A_937, %get3A_938, %get3A_939] : memref<3x19x512xf32, #tpu.memory_space<vmem>>, vector<1x1x512xf32>
    %get3A_941 = vector.shape_cast %get3A_940 : vector<1x1x512xf32> to vector<512xf32>
    %dot_general3A_942 = arith.constant dense<0.000000e+00> : vector<1x512xf32>
    %dot_general3A_943 = tpu.matmul %broadcast_in_dim3A_8, %mul3A_935, %dot_general3A_942 {dimension_numbers = #tpu.dot_dimension_numbers<[1], [0], [0], [1], [0, 0, 1, 1], [], []>, transpose_lhs_hint = false} : vector<1x256xf32>, vector<256x512xf32>, vector<1x512xf32> -> vector<1x512xf32>
    %squeeze3A_944 = vector.shape_cast %dot_general3A_943 : vector<1x512xf32> to vector<512xf32>
    %add3A_945 = arith.addf %get3A_941, %squeeze3A_944 : vector<512xf32>
    %swap3A_946 = arith.constant 0 : index
    %swap3A_947 = arith.constant 16 : index
    %swap3A_948 = arith.constant 0 : index
    %swap3A_949 = vector.load %arg4[%swap3A_946, %swap3A_947, %swap3A_948] : memref<3x19x512xf32, #tpu.memory_space<vmem>>, vector<1x1x512xf32>
    %swap3A_950 = vector.shape_cast %swap3A_949 : vector<1x1x512xf32> to vector<512xf32>
    %swap3A_951 = vector.shape_cast %add3A_945 : vector<512xf32> to vector<1x1x512xf32>
    tpu.vector_store %arg4[%swap3A_946, %swap3A_947, %swap3A_948], %swap3A_951 {strides = array<i32>} : memref<3x19x512xf32, #tpu.memory_space<vmem>>, vector<1x1x512xf32>,
    %get3A_952 = arith.constant 1 : index
    %get3A_953 = arith.constant 16 : index
    %get3A_954 = arith.constant 0 : index
    %get3A_955 = vector.load %arg4[%get3A_952, %get3A_953, %get3A_954] : memref<3x19x512xf32, #tpu.memory_space<vmem>>, vector<1x1x512xf32>
    %get3A_956 = vector.shape_cast %get3A_955 : vector<1x1x512xf32> to vector<512xf32>
    %dot_general3A_957 = arith.constant dense<0.000000e+00> : vector<1x512xf32>
    %dot_general3A_958 = tpu.matmul %broadcast_in_dim3A_8, %mul3A_936, %dot_general3A_957 {dimension_numbers = #tpu.dot_dimension_numbers<[1], [0], [0], [1], [0, 0, 1, 1], [], []>, transpose_lhs_hint = false} : vector<1x256xf32>, vector<256x512xf32>, vector<1x512xf32> -> vector<1x512xf32>
    %squeeze3A_959 = vector.shape_cast %dot_general3A_958 : vector<1x512xf32> to vector<512xf32>
    %add3A_960 = arith.addf %get3A_956, %squeeze3A_959 : vector<512xf32>
    %swap3A_961 = arith.constant 1 : index
    %swap3A_962 = arith.constant 16 : index
    %swap3A_963 = arith.constant 0 : index
    %swap3A_964 = vector.load %arg4[%swap3A_961, %swap3A_962, %swap3A_963] : memref<3x19x512xf32, #tpu.memory_space<vmem>>, vector<1x1x512xf32>
    %swap3A_965 = vector.shape_cast %swap3A_964 : vector<1x1x512xf32> to vector<512xf32>
    %swap3A_966 = vector.shape_cast %add3A_960 : vector<512xf32> to vector<1x1x512xf32>
    tpu.vector_store %arg4[%swap3A_961, %swap3A_962, %swap3A_963], %swap3A_966 {strides = array<i32>} : memref<3x19x512xf32, #tpu.memory_space<vmem>>, vector<1x1x512xf32>,
    %get3A_967 = arith.constant 0 : index
    %get3A_968 = arith.constant 17 : index
    %get3A_969 = arith.constant 0 : index
    %get3A_970 = arith.constant 0 : index
    %get3A_971 = vector.load %arg2[%get3A_967, %get3A_968, %get3A_969, %get3A_970] : memref<1x19x256x512xf32, #tpu.memory_space<vmem>>, vector<1x1x256x512xf32>
    %get3A_972 = vector.shape_cast %get3A_971 : vector<1x1x256x512xf32> to vector<256x512xf32>
    %sub3A_973 = arith.subf %get3A_972, %max3A_139 : vector<256x512xf32>
    %exp3A_974 = math.exp %sub3A_973 : vector<256x512xf32>
    %add3A_975 = arith.addf %add3A_926, %exp3A_974 : vector<256x512xf32>
    %eq3A_976 = arith.constant 17 : i32
    %eq3A_977 = vector.broadcast %eq3A_976 : i32 to vector<256x512xi32>
    %eq3A_978 = arith.cmpi eq, %get3A_7, %eq3A_977 : vector<256x512xi32>
    %convert_element_type3A_979 = arith.extui %eq3A_978 : vector<256x512xi1> to vector<256x512xi32>
    %convert_element_type3A_980 = arith.sitofp %convert_element_type3A_979 : vector<256x512xi32> to vector<256x512xf32>
    %lt3A_981 = arith.cmpf olt, %get3A_972, %max3A_139 : vector<256x512xf32>
    %convert_element_type3A_982 = arith.extui %lt3A_981 : vector<256x512xi1> to vector<256x512xi32>
    %convert_element_type3A_983 = arith.sitofp %convert_element_type3A_982 : vector<256x512xi32> to vector<256x512xf32>
    %mul3A_984 = arith.mulf %convert_element_type3A_980, %convert_element_type3A_983 : vector<256x512xf32>
    %mul3A_985 = arith.mulf %convert_element_type3A_980, %get3A_972 : vector<256x512xf32>
    %get3A_986 = arith.constant 0 : index
    %get3A_987 = arith.constant 17 : index
    %get3A_988 = arith.constant 0 : index
    %get3A_989 = vector.load %arg4[%get3A_986, %get3A_987, %get3A_988] : memref<3x19x512xf32, #tpu.memory_space<vmem>>, vector<1x1x512xf32>
    %get3A_990 = vector.shape_cast %get3A_989 : vector<1x1x512xf32> to vector<512xf32>
    %dot_general3A_991 = arith.constant dense<0.000000e+00> : vector<1x512xf32>
    %dot_general3A_992 = tpu.matmul %broadcast_in_dim3A_8, %mul3A_984, %dot_general3A_991 {dimension_numbers = #tpu.dot_dimension_numbers<[1], [0], [0], [1], [0, 0, 1, 1], [], []>, transpose_lhs_hint = false} : vector<1x256xf32>, vector<256x512xf32>, vector<1x512xf32> -> vector<1x512xf32>
    %squeeze3A_993 = vector.shape_cast %dot_general3A_992 : vector<1x512xf32> to vector<512xf32>
    %add3A_994 = arith.addf %get3A_990, %squeeze3A_993 : vector<512xf32>
    %swap3A_995 = arith.constant 0 : index
    %swap3A_996 = arith.constant 17 : index
    %swap3A_997 = arith.constant 0 : index
    %swap3A_998 = vector.load %arg4[%swap3A_995, %swap3A_996, %swap3A_997] : memref<3x19x512xf32, #tpu.memory_space<vmem>>, vector<1x1x512xf32>
    %swap3A_999 = vector.shape_cast %swap3A_998 : vector<1x1x512xf32> to vector<512xf32>
    %swap3A_1000 = vector.shape_cast %add3A_994 : vector<512xf32> to vector<1x1x512xf32>
    tpu.vector_store %arg4[%swap3A_995, %swap3A_996, %swap3A_997], %swap3A_1000 {strides = array<i32>} : memref<3x19x512xf32, #tpu.memory_space<vmem>>, vector<1x1x512xf32>,
    %get3A_1001 = arith.constant 1 : index
    %get3A_1002 = arith.constant 17 : index
    %get3A_1003 = arith.constant 0 : index
    %get3A_1004 = vector.load %arg4[%get3A_1001, %get3A_1002, %get3A_1003] : memref<3x19x512xf32, #tpu.memory_space<vmem>>, vector<1x1x512xf32>
    %get3A_1005 = vector.shape_cast %get3A_1004 : vector<1x1x512xf32> to vector<512xf32>
    %dot_general3A_1006 = arith.constant dense<0.000000e+00> : vector<1x512xf32>
    %dot_general3A_1007 = tpu.matmul %broadcast_in_dim3A_8, %mul3A_985, %dot_general3A_1006 {dimension_numbers = #tpu.dot_dimension_numbers<[1], [0], [0], [1], [0, 0, 1, 1], [], []>, transpose_lhs_hint = false} : vector<1x256xf32>, vector<256x512xf32>, vector<1x512xf32> -> vector<1x512xf32>
    %squeeze3A_1008 = vector.shape_cast %dot_general3A_1007 : vector<1x512xf32> to vector<512xf32>
    %add3A_1009 = arith.addf %get3A_1005, %squeeze3A_1008 : vector<512xf32>
    %swap3A_1010 = arith.constant 1 : index
    %swap3A_1011 = arith.constant 17 : index
    %swap3A_1012 = arith.constant 0 : index
    %swap3A_1013 = vector.load %arg4[%swap3A_1010, %swap3A_1011, %swap3A_1012] : memref<3x19x512xf32, #tpu.memory_space<vmem>>, vector<1x1x512xf32>
    %swap3A_1014 = vector.shape_cast %swap3A_1013 : vector<1x1x512xf32> to vector<512xf32>
    %swap3A_1015 = vector.shape_cast %add3A_1009 : vector<512xf32> to vector<1x1x512xf32>
    tpu.vector_store %arg4[%swap3A_1010, %swap3A_1011, %swap3A_1012], %swap3A_1015 {strides = array<i32>} : memref<3x19x512xf32, #tpu.memory_space<vmem>>, vector<1x1x512xf32>,
    %get3A_1016 = arith.constant 0 : index
    %get3A_1017 = arith.constant 18 : index
    %get3A_1018 = arith.constant 0 : index
    %get3A_1019 = arith.constant 0 : index
    %get3A_1020 = vector.load %arg2[%get3A_1016, %get3A_1017, %get3A_1018, %get3A_1019] : memref<1x19x256x512xf32, #tpu.memory_space<vmem>>, vector<1x1x256x512xf32>
    %get3A_1021 = vector.shape_cast %get3A_1020 : vector<1x1x256x512xf32> to vector<256x512xf32>
    %sub3A_1022 = arith.subf %get3A_1021, %max3A_139 : vector<256x512xf32>
    %exp3A_1023 = math.exp %sub3A_1022 : vector<256x512xf32>
    %add3A_1024 = arith.addf %add3A_975, %exp3A_1023 : vector<256x512xf32>
    %eq3A_1025 = arith.constant 18 : i32
    %eq3A_1026 = vector.broadcast %eq3A_1025 : i32 to vector<256x512xi32>
    %eq3A_1027 = arith.cmpi eq, %get3A_7, %eq3A_1026 : vector<256x512xi32>
    %convert_element_type3A_1028 = arith.extui %eq3A_1027 : vector<256x512xi1> to vector<256x512xi32>
    %convert_element_type3A_1029 = arith.sitofp %convert_element_type3A_1028 : vector<256x512xi32> to vector<256x512xf32>
    %lt3A_1030 = arith.cmpf olt, %get3A_1021, %max3A_139 : vector<256x512xf32>
    %convert_element_type3A_1031 = arith.extui %lt3A_1030 : vector<256x512xi1> to vector<256x512xi32>
    %convert_element_type3A_1032 = arith.sitofp %convert_element_type3A_1031 : vector<256x512xi32> to vector<256x512xf32>
    %mul3A_1033 = arith.mulf %convert_element_type3A_1029, %convert_element_type3A_1032 : vector<256x512xf32>
    %mul3A_1034 = arith.mulf %convert_element_type3A_1029, %get3A_1021 : vector<256x512xf32>
    %get3A_1035 = arith.constant 0 : index
    %get3A_1036 = arith.constant 18 : index
    %get3A_1037 = arith.constant 0 : index
    %get3A_1038 = vector.load %arg4[%get3A_1035, %get3A_1036, %get3A_1037] : memref<3x19x512xf32, #tpu.memory_space<vmem>>, vector<1x1x512xf32>
    %get3A_1039 = vector.shape_cast %get3A_1038 : vector<1x1x512xf32> to vector<512xf32>
    %dot_general3A_1040 = arith.constant dense<0.000000e+00> : vector<1x512xf32>
    %dot_general3A_1041 = tpu.matmul %broadcast_in_dim3A_8, %mul3A_1033, %dot_general3A_1040 {dimension_numbers = #tpu.dot_dimension_numbers<[1], [0], [0], [1], [0, 0, 1, 1], [], []>, transpose_lhs_hint = false} : vector<1x256xf32>, vector<256x512xf32>, vector<1x512xf32> -> vector<1x512xf32>
    %squeeze3A_1042 = vector.shape_cast %dot_general3A_1041 : vector<1x512xf32> to vector<512xf32>
    %add3A_1043 = arith.addf %get3A_1039, %squeeze3A_1042 : vector<512xf32>
    %swap3A_1044 = arith.constant 0 : index
    %swap3A_1045 = arith.constant 18 : index
    %swap3A_1046 = arith.constant 0 : index
    %swap3A_1047 = vector.load %arg4[%swap3A_1044, %swap3A_1045, %swap3A_1046] : memref<3x19x512xf32, #tpu.memory_space<vmem>>, vector<1x1x512xf32>
    %swap3A_1048 = vector.shape_cast %swap3A_1047 : vector<1x1x512xf32> to vector<512xf32>
    %swap3A_1049 = vector.shape_cast %add3A_1043 : vector<512xf32> to vector<1x1x512xf32>
    tpu.vector_store %arg4[%swap3A_1044, %swap3A_1045, %swap3A_1046], %swap3A_1049 {strides = array<i32>} : memref<3x19x512xf32, #tpu.memory_space<vmem>>, vector<1x1x512xf32>,
    %get3A_1050 = arith.constant 1 : index
    %get3A_1051 = arith.constant 18 : index
    %get3A_1052 = arith.constant 0 : index
    %get3A_1053 = vector.load %arg4[%get3A_1050, %get3A_1051, %get3A_1052] : memref<3x19x512xf32, #tpu.memory_space<vmem>>, vector<1x1x512xf32>
    %get3A_1054 = vector.shape_cast %get3A_1053 : vector<1x1x512xf32> to vector<512xf32>
    %dot_general3A_1055 = arith.constant dense<0.000000e+00> : vector<1x512xf32>
    %dot_general3A_1056 = tpu.matmul %broadcast_in_dim3A_8, %mul3A_1034, %dot_general3A_1055 {dimension_numbers = #tpu.dot_dimension_numbers<[1], [0], [0], [1], [0, 0, 1, 1], [], []>, transpose_lhs_hint = false} : vector<1x256xf32>, vector<256x512xf32>, vector<1x512xf32> -> vector<1x512xf32>
    %squeeze3A_1057 = vector.shape_cast %dot_general3A_1056 : vector<1x512xf32> to vector<512xf32>
    %add3A_1058 = arith.addf %get3A_1054, %squeeze3A_1057 : vector<512xf32>
    %swap3A_1059 = arith.constant 1 : index
    %swap3A_1060 = arith.constant 18 : index
    %swap3A_1061 = arith.constant 0 : index
    %swap3A_1062 = vector.load %arg4[%swap3A_1059, %swap3A_1060, %swap3A_1061] : memref<3x19x512xf32, #tpu.memory_space<vmem>>, vector<1x1x512xf32>
    %swap3A_1063 = vector.shape_cast %swap3A_1062 : vector<1x1x512xf32> to vector<512xf32>
    %swap3A_1064 = vector.shape_cast %add3A_1058 : vector<512xf32> to vector<1x1x512xf32>
    tpu.vector_store %arg4[%swap3A_1059, %swap3A_1060, %swap3A_1061], %swap3A_1064 {strides = array<i32>} : memref<3x19x512xf32, #tpu.memory_space<vmem>>, vector<1x1x512xf32>,
    %log3A = math.log %add3A_1024 : vector<256x512xf32>
    %add3A_1065 = arith.addf %max3A_139, %log3A : vector<256x512xf32>
    %eq3A_1066 = arith.constant 0 : i32
    %eq3A_1067 = vector.broadcast %eq3A_1066 : i32 to vector<256x512xi32>
    %eq3A_1068 = arith.cmpi eq, %get3A_7, %eq3A_1067 : vector<256x512xi32>
    %convert_element_type3A_1069 = arith.extui %eq3A_1068 : vector<256x512xi1> to vector<256x512xi32>
    %convert_element_type3A_1070 = arith.sitofp %convert_element_type3A_1069 : vector<256x512xi32> to vector<256x512xf32>
    %get3A_1071 = arith.constant 2 : index
    %get3A_1072 = arith.constant 0 : index
    %get3A_1073 = arith.constant 0 : index
    %get3A_1074 = vector.load %arg4[%get3A_1071, %get3A_1072, %get3A_1073] : memref<3x19x512xf32, #tpu.memory_space<vmem>>, vector<1x1x512xf32>
    %get3A_1075 = vector.shape_cast %get3A_1074 : vector<1x1x512xf32> to vector<512xf32>
    %mul3A_1076 = arith.mulf %convert_element_type3A_1070, %add3A_1065 : vector<256x512xf32>
    %dot_general3A_1077 = arith.constant dense<0.000000e+00> : vector<1x512xf32>
    %dot_general3A_1078 = tpu.matmul %broadcast_in_dim3A_8, %mul3A_1076, %dot_general3A_1077 {dimension_numbers = #tpu.dot_dimension_numbers<[1], [0], [0], [1], [0, 0, 1, 1], [], []>, transpose_lhs_hint = false} : vector<1x256xf32>, vector<256x512xf32>, vector<1x512xf32> -> vector<1x512xf32>
    %squeeze3A_1079 = vector.shape_cast %dot_general3A_1078 : vector<1x512xf32> to vector<512xf32>
    %add3A_1080 = arith.addf %get3A_1075, %squeeze3A_1079 : vector<512xf32>
    %swap3A_1081 = arith.constant 2 : index
    %swap3A_1082 = arith.constant 0 : index
    %swap3A_1083 = arith.constant 0 : index
    %swap3A_1084 = vector.load %arg4[%swap3A_1081, %swap3A_1082, %swap3A_1083] : memref<3x19x512xf32, #tpu.memory_space<vmem>>, vector<1x1x512xf32>
    %swap3A_1085 = vector.shape_cast %swap3A_1084 : vector<1x1x512xf32> to vector<512xf32>
    %swap3A_1086 = vector.shape_cast %add3A_1080 : vector<512xf32> to vector<1x1x512xf32>
    tpu.vector_store %arg4[%swap3A_1081, %swap3A_1082, %swap3A_1083], %swap3A_1086 {strides = array<i32>} : memref<3x19x512xf32, #tpu.memory_space<vmem>>, vector<1x1x512xf32>,
    %eq3A_1087 = arith.constant 1 : i32
    %eq3A_1088 = vector.broadcast %eq3A_1087 : i32 to vector<256x512xi32>
    %eq3A_1089 = arith.cmpi eq, %get3A_7, %eq3A_1088 : vector<256x512xi32>
    %convert_element_type3A_1090 = arith.extui %eq3A_1089 : vector<256x512xi1> to vector<256x512xi32>
    %convert_element_type3A_1091 = arith.sitofp %convert_element_type3A_1090 : vector<256x512xi32> to vector<256x512xf32>
    %get3A_1092 = arith.constant 2 : index
    %get3A_1093 = arith.constant 1 : index
    %get3A_1094 = arith.constant 0 : index
    %get3A_1095 = vector.load %arg4[%get3A_1092, %get3A_1093, %get3A_1094] : memref<3x19x512xf32, #tpu.memory_space<vmem>>, vector<1x1x512xf32>
    %get3A_1096 = vector.shape_cast %get3A_1095 : vector<1x1x512xf32> to vector<512xf32>
    %mul3A_1097 = arith.mulf %convert_element_type3A_1091, %add3A_1065 : vector<256x512xf32>
    %dot_general3A_1098 = arith.constant dense<0.000000e+00> : vector<1x512xf32>
    %dot_general3A_1099 = tpu.matmul %broadcast_in_dim3A_8, %mul3A_1097, %dot_general3A_1098 {dimension_numbers = #tpu.dot_dimension_numbers<[1], [0], [0], [1], [0, 0, 1, 1], [], []>, transpose_lhs_hint = false} : vector<1x256xf32>, vector<256x512xf32>, vector<1x512xf32> -> vector<1x512xf32>
    %squeeze3A_1100 = vector.shape_cast %dot_general3A_1099 : vector<1x512xf32> to vector<512xf32>
    %add3A_1101 = arith.addf %get3A_1096, %squeeze3A_1100 : vector<512xf32>
    %swap3A_1102 = arith.constant 2 : index
    %swap3A_1103 = arith.constant 1 : index
    %swap3A_1104 = arith.constant 0 : index
    %swap3A_1105 = vector.load %arg4[%swap3A_1102, %swap3A_1103, %swap3A_1104] : memref<3x19x512xf32, #tpu.memory_space<vmem>>, vector<1x1x512xf32>
    %swap3A_1106 = vector.shape_cast %swap3A_1105 : vector<1x1x512xf32> to vector<512xf32>
    %swap3A_1107 = vector.shape_cast %add3A_1101 : vector<512xf32> to vector<1x1x512xf32>
    tpu.vector_store %arg4[%swap3A_1102, %swap3A_1103, %swap3A_1104], %swap3A_1107 {strides = array<i32>} : memref<3x19x512xf32, #tpu.memory_space<vmem>>, vector<1x1x512xf32>,
    %eq3A_1108 = arith.constant 2 : i32
    %eq3A_1109 = vector.broadcast %eq3A_1108 : i32 to vector<256x512xi32>
    %eq3A_1110 = arith.cmpi eq, %get3A_7, %eq3A_1109 : vector<256x512xi32>
    %convert_element_type3A_1111 = arith.extui %eq3A_1110 : vector<256x512xi1> to vector<256x512xi32>
    %convert_element_type3A_1112 = arith.sitofp %convert_element_type3A_1111 : vector<256x512xi32> to vector<256x512xf32>
    %get3A_1113 = arith.constant 2 : index
    %get3A_1114 = arith.constant 2 : index
    %get3A_1115 = arith.constant 0 : index
    %get3A_1116 = vector.load %arg4[%get3A_1113, %get3A_1114, %get3A_1115] : memref<3x19x512xf32, #tpu.memory_space<vmem>>, vector<1x1x512xf32>
    %get3A_1117 = vector.shape_cast %get3A_1116 : vector<1x1x512xf32> to vector<512xf32>
    %mul3A_1118 = arith.mulf %convert_element_type3A_1112, %add3A_1065 : vector<256x512xf32>
    %dot_general3A_1119 = arith.constant dense<0.000000e+00> : vector<1x512xf32>
    %dot_general3A_1120 = tpu.matmul %broadcast_in_dim3A_8, %mul3A_1118, %dot_general3A_1119 {dimension_numbers = #tpu.dot_dimension_numbers<[1], [0], [0], [1], [0, 0, 1, 1], [], []>, transpose_lhs_hint = false} : vector<1x256xf32>, vector<256x512xf32>, vector<1x512xf32> -> vector<1x512xf32>
    %squeeze3A_1121 = vector.shape_cast %dot_general3A_1120 : vector<1x512xf32> to vector<512xf32>
    %add3A_1122 = arith.addf %get3A_1117, %squeeze3A_1121 : vector<512xf32>
    %swap3A_1123 = arith.constant 2 : index
    %swap3A_1124 = arith.constant 2 : index
    %swap3A_1125 = arith.constant 0 : index
    %swap3A_1126 = vector.load %arg4[%swap3A_1123, %swap3A_1124, %swap3A_1125] : memref<3x19x512xf32, #tpu.memory_space<vmem>>, vector<1x1x512xf32>
    %swap3A_1127 = vector.shape_cast %swap3A_1126 : vector<1x1x512xf32> to vector<512xf32>
    %swap3A_1128 = vector.shape_cast %add3A_1122 : vector<512xf32> to vector<1x1x512xf32>
    tpu.vector_store %arg4[%swap3A_1123, %swap3A_1124, %swap3A_1125], %swap3A_1128 {strides = array<i32>} : memref<3x19x512xf32, #tpu.memory_space<vmem>>, vector<1x1x512xf32>,
    %eq3A_1129 = arith.constant 3 : i32
    %eq3A_1130 = vector.broadcast %eq3A_1129 : i32 to vector<256x512xi32>
    %eq3A_1131 = arith.cmpi eq, %get3A_7, %eq3A_1130 : vector<256x512xi32>
    %convert_element_type3A_1132 = arith.extui %eq3A_1131 : vector<256x512xi1> to vector<256x512xi32>
    %convert_element_type3A_1133 = arith.sitofp %convert_element_type3A_1132 : vector<256x512xi32> to vector<256x512xf32>
    %get3A_1134 = arith.constant 2 : index
    %get3A_1135 = arith.constant 3 : index
    %get3A_1136 = arith.constant 0 : index
    %get3A_1137 = vector.load %arg4[%get3A_1134, %get3A_1135, %get3A_1136] : memref<3x19x512xf32, #tpu.memory_space<vmem>>, vector<1x1x512xf32>
    %get3A_1138 = vector.shape_cast %get3A_1137 : vector<1x1x512xf32> to vector<512xf32>
    %mul3A_1139 = arith.mulf %convert_element_type3A_1133, %add3A_1065 : vector<256x512xf32>
    %dot_general3A_1140 = arith.constant dense<0.000000e+00> : vector<1x512xf32>
    %dot_general3A_1141 = tpu.matmul %broadcast_in_dim3A_8, %mul3A_1139, %dot_general3A_1140 {dimension_numbers = #tpu.dot_dimension_numbers<[1], [0], [0], [1], [0, 0, 1, 1], [], []>, transpose_lhs_hint = false} : vector<1x256xf32>, vector<256x512xf32>, vector<1x512xf32> -> vector<1x512xf32>
    %squeeze3A_1142 = vector.shape_cast %dot_general3A_1141 : vector<1x512xf32> to vector<512xf32>
    %add3A_1143 = arith.addf %get3A_1138, %squeeze3A_1142 : vector<512xf32>
    %swap3A_1144 = arith.constant 2 : index
    %swap3A_1145 = arith.constant 3 : index
    %swap3A_1146 = arith.constant 0 : index
    %swap3A_1147 = vector.load %arg4[%swap3A_1144, %swap3A_1145, %swap3A_1146] : memref<3x19x512xf32, #tpu.memory_space<vmem>>, vector<1x1x512xf32>
    %swap3A_1148 = vector.shape_cast %swap3A_1147 : vector<1x1x512xf32> to vector<512xf32>
    %swap3A_1149 = vector.shape_cast %add3A_1143 : vector<512xf32> to vector<1x1x512xf32>
    tpu.vector_store %arg4[%swap3A_1144, %swap3A_1145, %swap3A_1146], %swap3A_1149 {strides = array<i32>} : memref<3x19x512xf32, #tpu.memory_space<vmem>>, vector<1x1x512xf32>,
    %eq3A_1150 = arith.constant 4 : i32
    %eq3A_1151 = vector.broadcast %eq3A_1150 : i32 to vector<256x512xi32>
    %eq3A_1152 = arith.cmpi eq, %get3A_7, %eq3A_1151 : vector<256x512xi32>
    %convert_element_type3A_1153 = arith.extui %eq3A_1152 : vector<256x512xi1> to vector<256x512xi32>
    %convert_element_type3A_1154 = arith.sitofp %convert_element_type3A_1153 : vector<256x512xi32> to vector<256x512xf32>
    %get3A_1155 = arith.constant 2 : index
    %get3A_1156 = arith.constant 4 : index
    %get3A_1157 = arith.constant 0 : index
    %get3A_1158 = vector.load %arg4[%get3A_1155, %get3A_1156, %get3A_1157] : memref<3x19x512xf32, #tpu.memory_space<vmem>>, vector<1x1x512xf32>
    %get3A_1159 = vector.shape_cast %get3A_1158 : vector<1x1x512xf32> to vector<512xf32>
    %mul3A_1160 = arith.mulf %convert_element_type3A_1154, %add3A_1065 : vector<256x512xf32>
    %dot_general3A_1161 = arith.constant dense<0.000000e+00> : vector<1x512xf32>
    %dot_general3A_1162 = tpu.matmul %broadcast_in_dim3A_8, %mul3A_1160, %dot_general3A_1161 {dimension_numbers = #tpu.dot_dimension_numbers<[1], [0], [0], [1], [0, 0, 1, 1], [], []>, transpose_lhs_hint = false} : vector<1x256xf32>, vector<256x512xf32>, vector<1x512xf32> -> vector<1x512xf32>
    %squeeze3A_1163 = vector.shape_cast %dot_general3A_1162 : vector<1x512xf32> to vector<512xf32>
    %add3A_1164 = arith.addf %get3A_1159, %squeeze3A_1163 : vector<512xf32>
    %swap3A_1165 = arith.constant 2 : index
    %swap3A_1166 = arith.constant 4 : index
    %swap3A_1167 = arith.constant 0 : index
    %swap3A_1168 = vector.load %arg4[%swap3A_1165, %swap3A_1166, %swap3A_1167] : memref<3x19x512xf32, #tpu.memory_space<vmem>>, vector<1x1x512xf32>
    %swap3A_1169 = vector.shape_cast %swap3A_1168 : vector<1x1x512xf32> to vector<512xf32>
    %swap3A_1170 = vector.shape_cast %add3A_1164 : vector<512xf32> to vector<1x1x512xf32>
    tpu.vector_store %arg4[%swap3A_1165, %swap3A_1166, %swap3A_1167], %swap3A_1170 {strides = array<i32>} : memref<3x19x512xf32, #tpu.memory_space<vmem>>, vector<1x1x512xf32>,
    %eq3A_1171 = arith.constant 5 : i32
    %eq3A_1172 = vector.broadcast %eq3A_1171 : i32 to vector<256x512xi32>
    %eq3A_1173 = arith.cmpi eq, %get3A_7, %eq3A_1172 : vector<256x512xi32>
    %convert_element_type3A_1174 = arith.extui %eq3A_1173 : vector<256x512xi1> to vector<256x512xi32>
    %convert_element_type3A_1175 = arith.sitofp %convert_element_type3A_1174 : vector<256x512xi32> to vector<256x512xf32>
    %get3A_1176 = arith.constant 2 : index
    %get3A_1177 = arith.constant 5 : index
    %get3A_1178 = arith.constant 0 : index
    %get3A_1179 = vector.load %arg4[%get3A_1176, %get3A_1177, %get3A_1178] : memref<3x19x512xf32, #tpu.memory_space<vmem>>, vector<1x1x512xf32>
    %get3A_1180 = vector.shape_cast %get3A_1179 : vector<1x1x512xf32> to vector<512xf32>
    %mul3A_1181 = arith.mulf %convert_element_type3A_1175, %add3A_1065 : vector<256x512xf32>
    %dot_general3A_1182 = arith.constant dense<0.000000e+00> : vector<1x512xf32>
    %dot_general3A_1183 = tpu.matmul %broadcast_in_dim3A_8, %mul3A_1181, %dot_general3A_1182 {dimension_numbers = #tpu.dot_dimension_numbers<[1], [0], [0], [1], [0, 0, 1, 1], [], []>, transpose_lhs_hint = false} : vector<1x256xf32>, vector<256x512xf32>, vector<1x512xf32> -> vector<1x512xf32>
    %squeeze3A_1184 = vector.shape_cast %dot_general3A_1183 : vector<1x512xf32> to vector<512xf32>
    %add3A_1185 = arith.addf %get3A_1180, %squeeze3A_1184 : vector<512xf32>
    %swap3A_1186 = arith.constant 2 : index
    %swap3A_1187 = arith.constant 5 : index
    %swap3A_1188 = arith.constant 0 : index
    %swap3A_1189 = vector.load %arg4[%swap3A_1186, %swap3A_1187, %swap3A_1188] : memref<3x19x512xf32, #tpu.memory_space<vmem>>, vector<1x1x512xf32>
    %swap3A_1190 = vector.shape_cast %swap3A_1189 : vector<1x1x512xf32> to vector<512xf32>
    %swap3A_1191 = vector.shape_cast %add3A_1185 : vector<512xf32> to vector<1x1x512xf32>
    tpu.vector_store %arg4[%swap3A_1186, %swap3A_1187, %swap3A_1188], %swap3A_1191 {strides = array<i32>} : memref<3x19x512xf32, #tpu.memory_space<vmem>>, vector<1x1x512xf32>,
    %eq3A_1192 = arith.constant 6 : i32
    %eq3A_1193 = vector.broadcast %eq3A_1192 : i32 to vector<256x512xi32>
    %eq3A_1194 = arith.cmpi eq, %get3A_7, %eq3A_1193 : vector<256x512xi32>
    %convert_element_type3A_1195 = arith.extui %eq3A_1194 : vector<256x512xi1> to vector<256x512xi32>
    %convert_element_type3A_1196 = arith.sitofp %convert_element_type3A_1195 : vector<256x512xi32> to vector<256x512xf32>
    %get3A_1197 = arith.constant 2 : index
    %get3A_1198 = arith.constant 6 : index
    %get3A_1199 = arith.constant 0 : index
    %get3A_1200 = vector.load %arg4[%get3A_1197, %get3A_1198, %get3A_1199] : memref<3x19x512xf32, #tpu.memory_space<vmem>>, vector<1x1x512xf32>
    %get3A_1201 = vector.shape_cast %get3A_1200 : vector<1x1x512xf32> to vector<512xf32>
    %mul3A_1202 = arith.mulf %convert_element_type3A_1196, %add3A_1065 : vector<256x512xf32>
    %dot_general3A_1203 = arith.constant dense<0.000000e+00> : vector<1x512xf32>
    %dot_general3A_1204 = tpu.matmul %broadcast_in_dim3A_8, %mul3A_1202, %dot_general3A_1203 {dimension_numbers = #tpu.dot_dimension_numbers<[1], [0], [0], [1], [0, 0, 1, 1], [], []>, transpose_lhs_hint = false} : vector<1x256xf32>, vector<256x512xf32>, vector<1x512xf32> -> vector<1x512xf32>
    %squeeze3A_1205 = vector.shape_cast %dot_general3A_1204 : vector<1x512xf32> to vector<512xf32>
    %add3A_1206 = arith.addf %get3A_1201, %squeeze3A_1205 : vector<512xf32>
    %swap3A_1207 = arith.constant 2 : index
    %swap3A_1208 = arith.constant 6 : index
    %swap3A_1209 = arith.constant 0 : index
    %swap3A_1210 = vector.load %arg4[%swap3A_1207, %swap3A_1208, %swap3A_1209] : memref<3x19x512xf32, #tpu.memory_space<vmem>>, vector<1x1x512xf32>
    %swap3A_1211 = vector.shape_cast %swap3A_1210 : vector<1x1x512xf32> to vector<512xf32>
    %swap3A_1212 = vector.shape_cast %add3A_1206 : vector<512xf32> to vector<1x1x512xf32>
    tpu.vector_store %arg4[%swap3A_1207, %swap3A_1208, %swap3A_1209], %swap3A_1212 {strides = array<i32>} : memref<3x19x512xf32, #tpu.memory_space<vmem>>, vector<1x1x512xf32>,
    %eq3A_1213 = arith.constant 7 : i32
    %eq3A_1214 = vector.broadcast %eq3A_1213 : i32 to vector<256x512xi32>
    %eq3A_1215 = arith.cmpi eq, %get3A_7, %eq3A_1214 : vector<256x512xi32>
    %convert_element_type3A_1216 = arith.extui %eq3A_1215 : vector<256x512xi1> to vector<256x512xi32>
    %convert_element_type3A_1217 = arith.sitofp %convert_element_type3A_1216 : vector<256x512xi32> to vector<256x512xf32>
    %get3A_1218 = arith.constant 2 : index
    %get3A_1219 = arith.constant 7 : index
    %get3A_1220 = arith.constant 0 : index
    %get3A_1221 = vector.load %arg4[%get3A_1218, %get3A_1219, %get3A_1220] : memref<3x19x512xf32, #tpu.memory_space<vmem>>, vector<1x1x512xf32>
    %get3A_1222 = vector.shape_cast %get3A_1221 : vector<1x1x512xf32> to vector<512xf32>
    %mul3A_1223 = arith.mulf %convert_element_type3A_1217, %add3A_1065 : vector<256x512xf32>
    %dot_general3A_1224 = arith.constant dense<0.000000e+00> : vector<1x512xf32>
    %dot_general3A_1225 = tpu.matmul %broadcast_in_dim3A_8, %mul3A_1223, %dot_general3A_1224 {dimension_numbers = #tpu.dot_dimension_numbers<[1], [0], [0], [1], [0, 0, 1, 1], [], []>, transpose_lhs_hint = false} : vector<1x256xf32>, vector<256x512xf32>, vector<1x512xf32> -> vector<1x512xf32>
    %squeeze3A_1226 = vector.shape_cast %dot_general3A_1225 : vector<1x512xf32> to vector<512xf32>
    %add3A_1227 = arith.addf %get3A_1222, %squeeze3A_1226 : vector<512xf32>
    %swap3A_1228 = arith.constant 2 : index
    %swap3A_1229 = arith.constant 7 : index
    %swap3A_1230 = arith.constant 0 : index
    %swap3A_1231 = vector.load %arg4[%swap3A_1228, %swap3A_1229, %swap3A_1230] : memref<3x19x512xf32, #tpu.memory_space<vmem>>, vector<1x1x512xf32>
    %swap3A_1232 = vector.shape_cast %swap3A_1231 : vector<1x1x512xf32> to vector<512xf32>
    %swap3A_1233 = vector.shape_cast %add3A_1227 : vector<512xf32> to vector<1x1x512xf32>
    tpu.vector_store %arg4[%swap3A_1228, %swap3A_1229, %swap3A_1230], %swap3A_1233 {strides = array<i32>} : memref<3x19x512xf32, #tpu.memory_space<vmem>>, vector<1x1x512xf32>,
    %eq3A_1234 = arith.constant 8 : i32
    %eq3A_1235 = vector.broadcast %eq3A_1234 : i32 to vector<256x512xi32>
    %eq3A_1236 = arith.cmpi eq, %get3A_7, %eq3A_1235 : vector<256x512xi32>
    %convert_element_type3A_1237 = arith.extui %eq3A_1236 : vector<256x512xi1> to vector<256x512xi32>
    %convert_element_type3A_1238 = arith.sitofp %convert_element_type3A_1237 : vector<256x512xi32> to vector<256x512xf32>
    %get3A_1239 = arith.constant 2 : index
    %get3A_1240 = arith.constant 8 : index
    %get3A_1241 = arith.constant 0 : index
    %get3A_1242 = vector.load %arg4[%get3A_1239, %get3A_1240, %get3A_1241] : memref<3x19x512xf32, #tpu.memory_space<vmem>>, vector<1x1x512xf32>
    %get3A_1243 = vector.shape_cast %get3A_1242 : vector<1x1x512xf32> to vector<512xf32>
    %mul3A_1244 = arith.mulf %convert_element_type3A_1238, %add3A_1065 : vector<256x512xf32>
    %dot_general3A_1245 = arith.constant dense<0.000000e+00> : vector<1x512xf32>
    %dot_general3A_1246 = tpu.matmul %broadcast_in_dim3A_8, %mul3A_1244, %dot_general3A_1245 {dimension_numbers = #tpu.dot_dimension_numbers<[1], [0], [0], [1], [0, 0, 1, 1], [], []>, transpose_lhs_hint = false} : vector<1x256xf32>, vector<256x512xf32>, vector<1x512xf32> -> vector<1x512xf32>
    %squeeze3A_1247 = vector.shape_cast %dot_general3A_1246 : vector<1x512xf32> to vector<512xf32>
    %add3A_1248 = arith.addf %get3A_1243, %squeeze3A_1247 : vector<512xf32>
    %swap3A_1249 = arith.constant 2 : index
    %swap3A_1250 = arith.constant 8 : index
    %swap3A_1251 = arith.constant 0 : index
    %swap3A_1252 = vector.load %arg4[%swap3A_1249, %swap3A_1250, %swap3A_1251] : memref<3x19x512xf32, #tpu.memory_space<vmem>>, vector<1x1x512xf32>
    %swap3A_1253 = vector.shape_cast %swap3A_1252 : vector<1x1x512xf32> to vector<512xf32>
    %swap3A_1254 = vector.shape_cast %add3A_1248 : vector<512xf32> to vector<1x1x512xf32>
    tpu.vector_store %arg4[%swap3A_1249, %swap3A_1250, %swap3A_1251], %swap3A_1254 {strides = array<i32>} : memref<3x19x512xf32, #tpu.memory_space<vmem>>, vector<1x1x512xf32>,
    %eq3A_1255 = arith.constant 9 : i32
    %eq3A_1256 = vector.broadcast %eq3A_1255 : i32 to vector<256x512xi32>
    %eq3A_1257 = arith.cmpi eq, %get3A_7, %eq3A_1256 : vector<256x512xi32>
    %convert_element_type3A_1258 = arith.extui %eq3A_1257 : vector<256x512xi1> to vector<256x512xi32>
    %convert_element_type3A_1259 = arith.sitofp %convert_element_type3A_1258 : vector<256x512xi32> to vector<256x512xf32>
    %get3A_1260 = arith.constant 2 : index
    %get3A_1261 = arith.constant 9 : index
    %get3A_1262 = arith.constant 0 : index
    %get3A_1263 = vector.load %arg4[%get3A_1260, %get3A_1261, %get3A_1262] : memref<3x19x512xf32, #tpu.memory_space<vmem>>, vector<1x1x512xf32>
    %get3A_1264 = vector.shape_cast %get3A_1263 : vector<1x1x512xf32> to vector<512xf32>
    %mul3A_1265 = arith.mulf %convert_element_type3A_1259, %add3A_1065 : vector<256x512xf32>
    %dot_general3A_1266 = arith.constant dense<0.000000e+00> : vector<1x512xf32>
    %dot_general3A_1267 = tpu.matmul %broadcast_in_dim3A_8, %mul3A_1265, %dot_general3A_1266 {dimension_numbers = #tpu.dot_dimension_numbers<[1], [0], [0], [1], [0, 0, 1, 1], [], []>, transpose_lhs_hint = false} : vector<1x256xf32>, vector<256x512xf32>, vector<1x512xf32> -> vector<1x512xf32>
    %squeeze3A_1268 = vector.shape_cast %dot_general3A_1267 : vector<1x512xf32> to vector<512xf32>
    %add3A_1269 = arith.addf %get3A_1264, %squeeze3A_1268 : vector<512xf32>
    %swap3A_1270 = arith.constant 2 : index
    %swap3A_1271 = arith.constant 9 : index
    %swap3A_1272 = arith.constant 0 : index
    %swap3A_1273 = vector.load %arg4[%swap3A_1270, %swap3A_1271, %swap3A_1272] : memref<3x19x512xf32, #tpu.memory_space<vmem>>, vector<1x1x512xf32>
    %swap3A_1274 = vector.shape_cast %swap3A_1273 : vector<1x1x512xf32> to vector<512xf32>
    %swap3A_1275 = vector.shape_cast %add3A_1269 : vector<512xf32> to vector<1x1x512xf32>
    tpu.vector_store %arg4[%swap3A_1270, %swap3A_1271, %swap3A_1272], %swap3A_1275 {strides = array<i32>} : memref<3x19x512xf32, #tpu.memory_space<vmem>>, vector<1x1x512xf32>,
    %eq3A_1276 = arith.constant 10 : i32
    %eq3A_1277 = vector.broadcast %eq3A_1276 : i32 to vector<256x512xi32>
    %eq3A_1278 = arith.cmpi eq, %get3A_7, %eq3A_1277 : vector<256x512xi32>
    %convert_element_type3A_1279 = arith.extui %eq3A_1278 : vector<256x512xi1> to vector<256x512xi32>
    %convert_element_type3A_1280 = arith.sitofp %convert_element_type3A_1279 : vector<256x512xi32> to vector<256x512xf32>
    %get3A_1281 = arith.constant 2 : index
    %get3A_1282 = arith.constant 10 : index
    %get3A_1283 = arith.constant 0 : index
    %get3A_1284 = vector.load %arg4[%get3A_1281, %get3A_1282, %get3A_1283] : memref<3x19x512xf32, #tpu.memory_space<vmem>>, vector<1x1x512xf32>
    %get3A_1285 = vector.shape_cast %get3A_1284 : vector<1x1x512xf32> to vector<512xf32>
    %mul3A_1286 = arith.mulf %convert_element_type3A_1280, %add3A_1065 : vector<256x512xf32>
    %dot_general3A_1287 = arith.constant dense<0.000000e+00> : vector<1x512xf32>
    %dot_general3A_1288 = tpu.matmul %broadcast_in_dim3A_8, %mul3A_1286, %dot_general3A_1287 {dimension_numbers = #tpu.dot_dimension_numbers<[1], [0], [0], [1], [0, 0, 1, 1], [], []>, transpose_lhs_hint = false} : vector<1x256xf32>, vector<256x512xf32>, vector<1x512xf32> -> vector<1x512xf32>
    %squeeze3A_1289 = vector.shape_cast %dot_general3A_1288 : vector<1x512xf32> to vector<512xf32>
    %add3A_1290 = arith.addf %get3A_1285, %squeeze3A_1289 : vector<512xf32>
    %swap3A_1291 = arith.constant 2 : index
    %swap3A_1292 = arith.constant 10 : index
    %swap3A_1293 = arith.constant 0 : index
    %swap3A_1294 = vector.load %arg4[%swap3A_1291, %swap3A_1292, %swap3A_1293] : memref<3x19x512xf32, #tpu.memory_space<vmem>>, vector<1x1x512xf32>
    %swap3A_1295 = vector.shape_cast %swap3A_1294 : vector<1x1x512xf32> to vector<512xf32>
    %swap3A_1296 = vector.shape_cast %add3A_1290 : vector<512xf32> to vector<1x1x512xf32>
    tpu.vector_store %arg4[%swap3A_1291, %swap3A_1292, %swap3A_1293], %swap3A_1296 {strides = array<i32>} : memref<3x19x512xf32, #tpu.memory_space<vmem>>, vector<1x1x512xf32>,
    %eq3A_1297 = arith.constant 11 : i32
    %eq3A_1298 = vector.broadcast %eq3A_1297 : i32 to vector<256x512xi32>
    %eq3A_1299 = arith.cmpi eq, %get3A_7, %eq3A_1298 : vector<256x512xi32>
    %convert_element_type3A_1300 = arith.extui %eq3A_1299 : vector<256x512xi1> to vector<256x512xi32>
    %convert_element_type3A_1301 = arith.sitofp %convert_element_type3A_1300 : vector<256x512xi32> to vector<256x512xf32>
    %get3A_1302 = arith.constant 2 : index
    %get3A_1303 = arith.constant 11 : index
    %get3A_1304 = arith.constant 0 : index
    %get3A_1305 = vector.load %arg4[%get3A_1302, %get3A_1303, %get3A_1304] : memref<3x19x512xf32, #tpu.memory_space<vmem>>, vector<1x1x512xf32>
    %get3A_1306 = vector.shape_cast %get3A_1305 : vector<1x1x512xf32> to vector<512xf32>
    %mul3A_1307 = arith.mulf %convert_element_type3A_1301, %add3A_1065 : vector<256x512xf32>
    %dot_general3A_1308 = arith.constant dense<0.000000e+00> : vector<1x512xf32>
    %dot_general3A_1309 = tpu.matmul %broadcast_in_dim3A_8, %mul3A_1307, %dot_general3A_1308 {dimension_numbers = #tpu.dot_dimension_numbers<[1], [0], [0], [1], [0, 0, 1, 1], [], []>, transpose_lhs_hint = false} : vector<1x256xf32>, vector<256x512xf32>, vector<1x512xf32> -> vector<1x512xf32>
    %squeeze3A_1310 = vector.shape_cast %dot_general3A_1309 : vector<1x512xf32> to vector<512xf32>
    %add3A_1311 = arith.addf %get3A_1306, %squeeze3A_1310 : vector<512xf32>
    %swap3A_1312 = arith.constant 2 : index
    %swap3A_1313 = arith.constant 11 : index
    %swap3A_1314 = arith.constant 0 : index
    %swap3A_1315 = vector.load %arg4[%swap3A_1312, %swap3A_1313, %swap3A_1314] : memref<3x19x512xf32, #tpu.memory_space<vmem>>, vector<1x1x512xf32>
    %swap3A_1316 = vector.shape_cast %swap3A_1315 : vector<1x1x512xf32> to vector<512xf32>
    %swap3A_1317 = vector.shape_cast %add3A_1311 : vector<512xf32> to vector<1x1x512xf32>
    tpu.vector_store %arg4[%swap3A_1312, %swap3A_1313, %swap3A_1314], %swap3A_1317 {strides = array<i32>} : memref<3x19x512xf32, #tpu.memory_space<vmem>>, vector<1x1x512xf32>,
    %eq3A_1318 = arith.constant 12 : i32
    %eq3A_1319 = vector.broadcast %eq3A_1318 : i32 to vector<256x512xi32>
    %eq3A_1320 = arith.cmpi eq, %get3A_7, %eq3A_1319 : vector<256x512xi32>
    %convert_element_type3A_1321 = arith.extui %eq3A_1320 : vector<256x512xi1> to vector<256x512xi32>
    %convert_element_type3A_1322 = arith.sitofp %convert_element_type3A_1321 : vector<256x512xi32> to vector<256x512xf32>
    %get3A_1323 = arith.constant 2 : index
    %get3A_1324 = arith.constant 12 : index
    %get3A_1325 = arith.constant 0 : index
    %get3A_1326 = vector.load %arg4[%get3A_1323, %get3A_1324, %get3A_1325] : memref<3x19x512xf32, #tpu.memory_space<vmem>>, vector<1x1x512xf32>
    %get3A_1327 = vector.shape_cast %get3A_1326 : vector<1x1x512xf32> to vector<512xf32>
    %mul3A_1328 = arith.mulf %convert_element_type3A_1322, %add3A_1065 : vector<256x512xf32>
    %dot_general3A_1329 = arith.constant dense<0.000000e+00> : vector<1x512xf32>
    %dot_general3A_1330 = tpu.matmul %broadcast_in_dim3A_8, %mul3A_1328, %dot_general3A_1329 {dimension_numbers = #tpu.dot_dimension_numbers<[1], [0], [0], [1], [0, 0, 1, 1], [], []>, transpose_lhs_hint = false} : vector<1x256xf32>, vector<256x512xf32>, vector<1x512xf32> -> vector<1x512xf32>
    %squeeze3A_1331 = vector.shape_cast %dot_general3A_1330 : vector<1x512xf32> to vector<512xf32>
    %add3A_1332 = arith.addf %get3A_1327, %squeeze3A_1331 : vector<512xf32>
    %swap3A_1333 = arith.constant 2 : index
    %swap3A_1334 = arith.constant 12 : index
    %swap3A_1335 = arith.constant 0 : index
    %swap3A_1336 = vector.load %arg4[%swap3A_1333, %swap3A_1334, %swap3A_1335] : memref<3x19x512xf32, #tpu.memory_space<vmem>>, vector<1x1x512xf32>
    %swap3A_1337 = vector.shape_cast %swap3A_1336 : vector<1x1x512xf32> to vector<512xf32>
    %swap3A_1338 = vector.shape_cast %add3A_1332 : vector<512xf32> to vector<1x1x512xf32>
    tpu.vector_store %arg4[%swap3A_1333, %swap3A_1334, %swap3A_1335], %swap3A_1338 {strides = array<i32>} : memref<3x19x512xf32, #tpu.memory_space<vmem>>, vector<1x1x512xf32>,
    %eq3A_1339 = arith.constant 13 : i32
    %eq3A_1340 = vector.broadcast %eq3A_1339 : i32 to vector<256x512xi32>
    %eq3A_1341 = arith.cmpi eq, %get3A_7, %eq3A_1340 : vector<256x512xi32>
    %convert_element_type3A_1342 = arith.extui %eq3A_1341 : vector<256x512xi1> to vector<256x512xi32>
    %convert_element_type3A_1343 = arith.sitofp %convert_element_type3A_1342 : vector<256x512xi32> to vector<256x512xf32>
    %get3A_1344 = arith.constant 2 : index
    %get3A_1345 = arith.constant 13 : index
    %get3A_1346 = arith.constant 0 : index
    %get3A_1347 = vector.load %arg4[%get3A_1344, %get3A_1345, %get3A_1346] : memref<3x19x512xf32, #tpu.memory_space<vmem>>, vector<1x1x512xf32>
    %get3A_1348 = vector.shape_cast %get3A_1347 : vector<1x1x512xf32> to vector<512xf32>
    %mul3A_1349 = arith.mulf %convert_element_type3A_1343, %add3A_1065 : vector<256x512xf32>
    %dot_general3A_1350 = arith.constant dense<0.000000e+00> : vector<1x512xf32>
    %dot_general3A_1351 = tpu.matmul %broadcast_in_dim3A_8, %mul3A_1349, %dot_general3A_1350 {dimension_numbers = #tpu.dot_dimension_numbers<[1], [0], [0], [1], [0, 0, 1, 1], [], []>, transpose_lhs_hint = false} : vector<1x256xf32>, vector<256x512xf32>, vector<1x512xf32> -> vector<1x512xf32>
    %squeeze3A_1352 = vector.shape_cast %dot_general3A_1351 : vector<1x512xf32> to vector<512xf32>
    %add3A_1353 = arith.addf %get3A_1348, %squeeze3A_1352 : vector<512xf32>
    %swap3A_1354 = arith.constant 2 : index
    %swap3A_1355 = arith.constant 13 : index
    %swap3A_1356 = arith.constant 0 : index
    %swap3A_1357 = vector.load %arg4[%swap3A_1354, %swap3A_1355, %swap3A_1356] : memref<3x19x512xf32, #tpu.memory_space<vmem>>, vector<1x1x512xf32>
    %swap3A_1358 = vector.shape_cast %swap3A_1357 : vector<1x1x512xf32> to vector<512xf32>
    %swap3A_1359 = vector.shape_cast %add3A_1353 : vector<512xf32> to vector<1x1x512xf32>
    tpu.vector_store %arg4[%swap3A_1354, %swap3A_1355, %swap3A_1356], %swap3A_1359 {strides = array<i32>} : memref<3x19x512xf32, #tpu.memory_space<vmem>>, vector<1x1x512xf32>,
    %eq3A_1360 = arith.constant 14 : i32
    %eq3A_1361 = vector.broadcast %eq3A_1360 : i32 to vector<256x512xi32>
    %eq3A_1362 = arith.cmpi eq, %get3A_7, %eq3A_1361 : vector<256x512xi32>
    %convert_element_type3A_1363 = arith.extui %eq3A_1362 : vector<256x512xi1> to vector<256x512xi32>
    %convert_element_type3A_1364 = arith.sitofp %convert_element_type3A_1363 : vector<256x512xi32> to vector<256x512xf32>
    %get3A_1365 = arith.constant 2 : index
    %get3A_1366 = arith.constant 14 : index
    %get3A_1367 = arith.constant 0 : index
    %get3A_1368 = vector.load %arg4[%get3A_1365, %get3A_1366, %get3A_1367] : memref<3x19x512xf32, #tpu.memory_space<vmem>>, vector<1x1x512xf32>
    %get3A_1369 = vector.shape_cast %get3A_1368 : vector<1x1x512xf32> to vector<512xf32>
    %mul3A_1370 = arith.mulf %convert_element_type3A_1364, %add3A_1065 : vector<256x512xf32>
    %dot_general3A_1371 = arith.constant dense<0.000000e+00> : vector<1x512xf32>
    %dot_general3A_1372 = tpu.matmul %broadcast_in_dim3A_8, %mul3A_1370, %dot_general3A_1371 {dimension_numbers = #tpu.dot_dimension_numbers<[1], [0], [0], [1], [0, 0, 1, 1], [], []>, transpose_lhs_hint = false} : vector<1x256xf32>, vector<256x512xf32>, vector<1x512xf32> -> vector<1x512xf32>
    %squeeze3A_1373 = vector.shape_cast %dot_general3A_1372 : vector<1x512xf32> to vector<512xf32>
    %add3A_1374 = arith.addf %get3A_1369, %squeeze3A_1373 : vector<512xf32>
    %swap3A_1375 = arith.constant 2 : index
    %swap3A_1376 = arith.constant 14 : index
    %swap3A_1377 = arith.constant 0 : index
    %swap3A_1378 = vector.load %arg4[%swap3A_1375, %swap3A_1376, %swap3A_1377] : memref<3x19x512xf32, #tpu.memory_space<vmem>>, vector<1x1x512xf32>
    %swap3A_1379 = vector.shape_cast %swap3A_1378 : vector<1x1x512xf32> to vector<512xf32>
    %swap3A_1380 = vector.shape_cast %add3A_1374 : vector<512xf32> to vector<1x1x512xf32>
    tpu.vector_store %arg4[%swap3A_1375, %swap3A_1376, %swap3A_1377], %swap3A_1380 {strides = array<i32>} : memref<3x19x512xf32, #tpu.memory_space<vmem>>, vector<1x1x512xf32>,
    %eq3A_1381 = arith.constant 15 : i32
    %eq3A_1382 = vector.broadcast %eq3A_1381 : i32 to vector<256x512xi32>
    %eq3A_1383 = arith.cmpi eq, %get3A_7, %eq3A_1382 : vector<256x512xi32>
    %convert_element_type3A_1384 = arith.extui %eq3A_1383 : vector<256x512xi1> to vector<256x512xi32>
    %convert_element_type3A_1385 = arith.sitofp %convert_element_type3A_1384 : vector<256x512xi32> to vector<256x512xf32>
    %get3A_1386 = arith.constant 2 : index
    %get3A_1387 = arith.constant 15 : index
    %get3A_1388 = arith.constant 0 : index
    %get3A_1389 = vector.load %arg4[%get3A_1386, %get3A_1387, %get3A_1388] : memref<3x19x512xf32, #tpu.memory_space<vmem>>, vector<1x1x512xf32>
    %get3A_1390 = vector.shape_cast %get3A_1389 : vector<1x1x512xf32> to vector<512xf32>
    %mul3A_1391 = arith.mulf %convert_element_type3A_1385, %add3A_1065 : vector<256x512xf32>
    %dot_general3A_1392 = arith.constant dense<0.000000e+00> : vector<1x512xf32>
    %dot_general3A_1393 = tpu.matmul %broadcast_in_dim3A_8, %mul3A_1391, %dot_general3A_1392 {dimension_numbers = #tpu.dot_dimension_numbers<[1], [0], [0], [1], [0, 0, 1, 1], [], []>, transpose_lhs_hint = false} : vector<1x256xf32>, vector<256x512xf32>, vector<1x512xf32> -> vector<1x512xf32>
    %squeeze3A_1394 = vector.shape_cast %dot_general3A_1393 : vector<1x512xf32> to vector<512xf32>
    %add3A_1395 = arith.addf %get3A_1390, %squeeze3A_1394 : vector<512xf32>
    %swap3A_1396 = arith.constant 2 : index
    %swap3A_1397 = arith.constant 15 : index
    %swap3A_1398 = arith.constant 0 : index
    %swap3A_1399 = vector.load %arg4[%swap3A_1396, %swap3A_1397, %swap3A_1398] : memref<3x19x512xf32, #tpu.memory_space<vmem>>, vector<1x1x512xf32>
    %swap3A_1400 = vector.shape_cast %swap3A_1399 : vector<1x1x512xf32> to vector<512xf32>
    %swap3A_1401 = vector.shape_cast %add3A_1395 : vector<512xf32> to vector<1x1x512xf32>
    tpu.vector_store %arg4[%swap3A_1396, %swap3A_1397, %swap3A_1398], %swap3A_1401 {strides = array<i32>} : memref<3x19x512xf32, #tpu.memory_space<vmem>>, vector<1x1x512xf32>,
    %eq3A_1402 = arith.constant 16 : i32
    %eq3A_1403 = vector.broadcast %eq3A_1402 : i32 to vector<256x512xi32>
    %eq3A_1404 = arith.cmpi eq, %get3A_7, %eq3A_1403 : vector<256x512xi32>
    %convert_element_type3A_1405 = arith.extui %eq3A_1404 : vector<256x512xi1> to vector<256x512xi32>
    %convert_element_type3A_1406 = arith.sitofp %convert_element_type3A_1405 : vector<256x512xi32> to vector<256x512xf32>
    %get3A_1407 = arith.constant 2 : index
    %get3A_1408 = arith.constant 16 : index
    %get3A_1409 = arith.constant 0 : index
    %get3A_1410 = vector.load %arg4[%get3A_1407, %get3A_1408, %get3A_1409] : memref<3x19x512xf32, #tpu.memory_space<vmem>>, vector<1x1x512xf32>
    %get3A_1411 = vector.shape_cast %get3A_1410 : vector<1x1x512xf32> to vector<512xf32>
    %mul3A_1412 = arith.mulf %convert_element_type3A_1406, %add3A_1065 : vector<256x512xf32>
    %dot_general3A_1413 = arith.constant dense<0.000000e+00> : vector<1x512xf32>
    %dot_general3A_1414 = tpu.matmul %broadcast_in_dim3A_8, %mul3A_1412, %dot_general3A_1413 {dimension_numbers = #tpu.dot_dimension_numbers<[1], [0], [0], [1], [0, 0, 1, 1], [], []>, transpose_lhs_hint = false} : vector<1x256xf32>, vector<256x512xf32>, vector<1x512xf32> -> vector<1x512xf32>
    %squeeze3A_1415 = vector.shape_cast %dot_general3A_1414 : vector<1x512xf32> to vector<512xf32>
    %add3A_1416 = arith.addf %get3A_1411, %squeeze3A_1415 : vector<512xf32>
    %swap3A_1417 = arith.constant 2 : index
    %swap3A_1418 = arith.constant 16 : index
    %swap3A_1419 = arith.constant 0 : index
    %swap3A_1420 = vector.load %arg4[%swap3A_1417, %swap3A_1418, %swap3A_1419] : memref<3x19x512xf32, #tpu.memory_space<vmem>>, vector<1x1x512xf32>
    %swap3A_1421 = vector.shape_cast %swap3A_1420 : vector<1x1x512xf32> to vector<512xf32>
    %swap3A_1422 = vector.shape_cast %add3A_1416 : vector<512xf32> to vector<1x1x512xf32>
    tpu.vector_store %arg4[%swap3A_1417, %swap3A_1418, %swap3A_1419], %swap3A_1422 {strides = array<i32>} : memref<3x19x512xf32, #tpu.memory_space<vmem>>, vector<1x1x512xf32>,
    %eq3A_1423 = arith.constant 17 : i32
    %eq3A_1424 = vector.broadcast %eq3A_1423 : i32 to vector<256x512xi32>
    %eq3A_1425 = arith.cmpi eq, %get3A_7, %eq3A_1424 : vector<256x512xi32>
    %convert_element_type3A_1426 = arith.extui %eq3A_1425 : vector<256x512xi1> to vector<256x512xi32>
    %convert_element_type3A_1427 = arith.sitofp %convert_element_type3A_1426 : vector<256x512xi32> to vector<256x512xf32>
    %get3A_1428 = arith.constant 2 : index
    %get3A_1429 = arith.constant 17 : index
    %get3A_1430 = arith.constant 0 : index
    %get3A_1431 = vector.load %arg4[%get3A_1428, %get3A_1429, %get3A_1430] : memref<3x19x512xf32, #tpu.memory_space<vmem>>, vector<1x1x512xf32>
    %get3A_1432 = vector.shape_cast %get3A_1431 : vector<1x1x512xf32> to vector<512xf32>
    %mul3A_1433 = arith.mulf %convert_element_type3A_1427, %add3A_1065 : vector<256x512xf32>
    %dot_general3A_1434 = arith.constant dense<0.000000e+00> : vector<1x512xf32>
    %dot_general3A_1435 = tpu.matmul %broadcast_in_dim3A_8, %mul3A_1433, %dot_general3A_1434 {dimension_numbers = #tpu.dot_dimension_numbers<[1], [0], [0], [1], [0, 0, 1, 1], [], []>, transpose_lhs_hint = false} : vector<1x256xf32>, vector<256x512xf32>, vector<1x512xf32> -> vector<1x512xf32>
    %squeeze3A_1436 = vector.shape_cast %dot_general3A_1435 : vector<1x512xf32> to vector<512xf32>
    %add3A_1437 = arith.addf %get3A_1432, %squeeze3A_1436 : vector<512xf32>
    %swap3A_1438 = arith.constant 2 : index
    %swap3A_1439 = arith.constant 17 : index
    %swap3A_1440 = arith.constant 0 : index
    %swap3A_1441 = vector.load %arg4[%swap3A_1438, %swap3A_1439, %swap3A_1440] : memref<3x19x512xf32, #tpu.memory_space<vmem>>, vector<1x1x512xf32>
    %swap3A_1442 = vector.shape_cast %swap3A_1441 : vector<1x1x512xf32> to vector<512xf32>
    %swap3A_1443 = vector.shape_cast %add3A_1437 : vector<512xf32> to vector<1x1x512xf32>
    tpu.vector_store %arg4[%swap3A_1438, %swap3A_1439, %swap3A_1440], %swap3A_1443 {strides = array<i32>} : memref<3x19x512xf32, #tpu.memory_space<vmem>>, vector<1x1x512xf32>,
    %eq3A_1444 = arith.constant 18 : i32
    %eq3A_1445 = vector.broadcast %eq3A_1444 : i32 to vector<256x512xi32>
    %eq3A_1446 = arith.cmpi eq, %get3A_7, %eq3A_1445 : vector<256x512xi32>
    %convert_element_type3A_1447 = arith.extui %eq3A_1446 : vector<256x512xi1> to vector<256x512xi32>
    %convert_element_type3A_1448 = arith.sitofp %convert_element_type3A_1447 : vector<256x512xi32> to vector<256x512xf32>
    %get3A_1449 = arith.constant 2 : index
    %get3A_1450 = arith.constant 18 : index
    %get3A_1451 = arith.constant 0 : index
    %get3A_1452 = vector.load %arg4[%get3A_1449, %get3A_1450, %get3A_1451] : memref<3x19x512xf32, #tpu.memory_space<vmem>>, vector<1x1x512xf32>
    %get3A_1453 = vector.shape_cast %get3A_1452 : vector<1x1x512xf32> to vector<512xf32>
    %mul3A_1454 = arith.mulf %convert_element_type3A_1448, %add3A_1065 : vector<256x512xf32>
    %dot_general3A_1455 = arith.constant dense<0.000000e+00> : vector<1x512xf32>
    %dot_general3A_1456 = tpu.matmul %broadcast_in_dim3A_8, %mul3A_1454, %dot_general3A_1455 {dimension_numbers = #tpu.dot_dimension_numbers<[1], [0], [0], [1], [0, 0, 1, 1], [], []>, transpose_lhs_hint = false} : vector<1x256xf32>, vector<256x512xf32>, vector<1x512xf32> -> vector<1x512xf32>
    %squeeze3A_1457 = vector.shape_cast %dot_general3A_1456 : vector<1x512xf32> to vector<512xf32>
    %add3A_1458 = arith.addf %get3A_1453, %squeeze3A_1457 : vector<512xf32>
    %swap3A_1459 = arith.constant 2 : index
    %swap3A_1460 = arith.constant 18 : index
    %swap3A_1461 = arith.constant 0 : index
    %swap3A_1462 = vector.load %arg4[%swap3A_1459, %swap3A_1460, %swap3A_1461] : memref<3x19x512xf32, #tpu.memory_space<vmem>>, vector<1x1x512xf32>
    %swap3A_1463 = vector.shape_cast %swap3A_1462 : vector<1x1x512xf32> to vector<512xf32>
    %swap3A_1464 = vector.shape_cast %add3A_1458 : vector<512xf32> to vector<1x1x512xf32>
    tpu.vector_store %arg4[%swap3A_1459, %swap3A_1460, %swap3A_1461], %swap3A_1464 {strides = array<i32>} : memref<3x19x512xf32, #tpu.memory_space<vmem>>, vector<1x1x512xf32>,
    return
  }
  func.func @transform_0(%arg0: i32, %arg1: i32) -> (i32, i32, i32, i32) {
    %c0_i32 = arith.constant 0 : i32
    %c0_i32_0 = arith.constant 0 : i32
    %c0_i32_1 = arith.constant 0 : i32
    return %arg0, %c0_i32, %arg1, %c0_i32_0 : i32, i32, i32, i32
  }
  func.func @transform_1(%arg0: i32, %arg1: i32) -> (i32, i32, i32) {
    %c0_i32 = arith.constant 0 : i32
    %c0_i32_0 = arith.constant 0 : i32
    return %arg0, %arg1, %c0_i32 : i32, i32, i32
  }
  func.func @transform_2(%arg0: i32, %arg1: i32) -> (i32, i32, i32) {
    %c0_i32 = arith.constant 0 : i32
    %c0_i32_0 = arith.constant 0 : i32
    %c0_i32_1 = arith.constant 0 : i32
    %c0_i32_2 = arith.constant 0 : i32
    return %c0_i32, %c0_i32_0, %c0_i32_1 : i32, i32, i32
  }
}

</mosaic_0001>

<sc_bundles>
// kernel: kernel.4.cloned.1.call-start
scs
__scs_entry_jumppad:
0x0: {  	(pc) =	sbr.rel $0x88, $3  }
0x1: {  	(tag) =	ssettag $0x0;
	lr =	simm.s32 $0x1  }
0x2: {  	[smem:$0x3F9F] =	sst lr;
	_ =	strace $0xD0000000  }
0x3: {  	_ = 	snop  }
0x4: {  	_ = 	snop  }
0x5: {  	_ = 	snop  }
0x6: {  	_ = 	snop  }
0x7: {  	_ = 	snop  }
__scs_overlays_trampoline_lowered:
0x8: {  	[smem:$0x3FAE] =	sst s0  }
0x9: {  	[smem:$0x3FAF] =	sst s1  }
0xa: {  	[smem:$0x3FB0] =	sst s2  }
0xb: {  	[smem:$0x3FB1] =	sst s3  }
0xc: {  	[smem:$0x3FB2] =	sst s4  }
0xd: {  	[smem:$0x3FB3] =	sst s5  }
0xe: {  	[smem:$0x3FB4] =	sst s6  }
0xf: {  	[smem:$0x3FB5] =	sst s7  }
0x10: {  	[smem:$0x3FB6] =	sst s8  }
0x11: {  	[smem:$0x3FB7] =	sst s9;
	s0 =	simm.s32 @!p0 $0x0  }
0x12: {  	s1 =	sld [smem:$0x3F9D];
	s0 =	simm.s32 @p0 $0x1  }
0x13: {  	[smem:$0x3FB8] =	sst s0;
	s0 =	simm.s32 @!p1 $0x0  }
0x14: {  	s2 =	sld [smem:$0x3F9C];
	s0 =	simm.s32 @p1 $0x1  }
0x15: {  	[smem:$0x3FB9] =	sst s0;
	s0 =	simm.s32 @!p2 $0x0  }
0x16: {  	s3 =	sld [smem:$0x3FDB];
	s0 =	simm.s32 @p2 $0x1  }
0x17: {  	s4 =	simm.s32 $0x1BF5;
	[smem:$0x3FBB] =	sst s0  }
0x18: {  	s0 =	sld [smem:$0x3F9E];
	_ =	swait.ge [sflag:s4], $0x0  }
0x19: {  	s7 =	sld [smem:$0x3F9F]  }
0x1a: {  	s8 =	sadd.s32 $0xFFFFE003, lr  }
0x1b: {  	s9 =	sadd.s32 $0xFFFFFEF7, lr;
	s5 =	simm.s32 $0xFFFFFFFF;
	p2 =	slt.u32 s8, $0xFFFFF086  }
0x1c: {  	p1 =	slt.u32 s9, $0xF7A;
	s5 =	simm.s32 @!p2 $0x0  }
0x1d: {  	s5 =	simm.s32 @p1 $0x1;
	p0 =	seq.s32 s7, s2  }
0x1e: {  	s7 =	smul.u32 @!p0 $0xF7A, s2;
	p2 =	seq.s32 @!p0 s5, $0x0  }
0x1f: {  	s9 =	smul.u32 $0xF7A, s1;
	s8 =	simm.s32 @!p0 $0x1BF5;
	p2 =	por !p2, p0  }
0x20: {  	[sflag:s8] =	ssyncset.s32 @!p0 $0xFFFFF086;
	s6 =	sadd.s32 @!p0 s3, s7;
	s7 =	simm.s32 @!p0 $0x108  }
0x21: {  	s3 =	sadd.s32 s3, s9;
	s6 =	sadd.s32 @!p0 $0x88, s6;
	s7 =	simm.s32 @p2 $0x1082  }
0x22: {  	[simem:s7], [sflag:s8] =	dma.local @!p0 [hbm:s6], $0xF7A  }
0x23: {  	s9 =	sor.u32 $0xD0000000, s2;
	s6 =	simm.s32 $0x108;
	_ =	swait.ge @!p0 [sflag:s8], $0x0  }
0x24: {  	s3 =	sadd.s32 $0x88, s3;
	s6 =	simm.s32 @!p1 $0x1082;
	[sflag:s4] =	ssyncset.s32 $0xFFFFF086  }
0x25: {  	[simem:s6], [sflag:s4] =	dma.local [hbm:s3], $0xF7A  }
0x26: {  	[smem:$0x3F9F] =	sst s1;
	(tag) =	ssettag s2;
	_ =	strace s9  }
0x27: {  	s1 =	sld [smem:$0x3FAF]  }
0x28: {  	s2 =	sld [smem:$0x3FB0]  }
0x29: {  	s4 =	sld [smem:$0x3FB2]  }
0x2a: {  	p0 =	seq.s32 s5, $0x0;
	s5 =	sld [smem:$0x3FB3]  }
0x2b: {  	s6 =	sld [smem:$0x3FB4]  }
0x2c: {  	s7 =	sld [smem:$0x3FB5]  }
0x2d: {  	s3 =	simm.s32 $0x108;
	s8 =	sld [smem:$0x3FB6]  }
0x2e: {  	s3 =	simm.s32 @!p0 $0x1082;
	s9 =	sld [smem:$0x3FB7]  }
0x2f: {  	lr =	sadd.s32 s0, s3;
	s0 =	sld [smem:$0x3FAE]  }
0x30: {  	s3 =	sld [smem:$0x3FB1]  }
0x31: {  	[smem:$0x3FBA] =	sst s10  }
0x32: {  	s10 =	sld [smem:$0x3FB8];
	_ =	sdelay $0x3  }
0x33: {  	p0 =	seq.s32 s10, $0x1;
	s10 =	sld [smem:$0x3FBA];
	_ =	sdelay $0x3  }
0x34: {  	[smem:$0x3FBA] =	sst s10  }
0x35: {  	s10 =	sld [smem:$0x3FB9];
	_ =	sdelay $0x3  }
0x36: {  	p1 =	seq.s32 s10, $0x1;
	s10 =	sld [smem:$0x3FBA];
	_ =	sdelay $0x3  }
0x37: {  	[smem:$0x3FBA] =	sst s10  }
0x38: {  	s10 =	sld [smem:$0x3FBB]  }
0x39: {  	_ = 	snop;
	(pc) =	sbr.ind lr, $3  }
0x3a: {  	_ = 	snop  }
0x3b: {  	_ = 	snop  }
0x3c: {  	p2 =	seq.s32 s10, $0x1;
	s10 =	sld [smem:$0x3FBA]  }
0x3d: {  	_ =	shalt  }
0x3e: {  	_ =	shalt  }
0x3f: {  	_ =	shalt  }
0x40: {  	_ =	shalt  }
0x41: {  	_ =	shalt  }
0x42: {  	_ =	shalt  }
0x43: {  	_ =	shalt  }
0x44: {  	_ =	shalt  }
0x45: {  	_ =	shalt  }
0x46: {  	_ =	shalt  }
0x47: {  	_ =	shalt  }
0x48: {  	_ =	shalt  }
0x49: {  	_ =	shalt  }
0x4a: {  	_ =	shalt  }
0x4b: {  	_ =	shalt  }
0x4c: {  	_ =	shalt  }
0x4d: {  	_ =	shalt  }
0x4e: {  	_ =	shalt  }
0x4f: {  	_ =	shalt  }
0x50: {  	_ =	shalt  }
0x51: {  	_ =	shalt  }
0x52: {  	_ =	shalt  }
0x53: {  	_ =	shalt  }
0x54: {  	_ =	shalt  }
0x55: {  	_ =	shalt  }
0x56: {  	_ =	shalt  }
0x57: {  	_ =	shalt  }
0x58: {  	_ =	shalt  }
0x59: {  	_ =	shalt  }
0x5a: {  	_ =	shalt  }
0x5b: {  	_ =	shalt  }
0x5c: {  	_ =	shalt  }
0x5d: {  	_ =	shalt  }
0x5e: {  	_ =	shalt  }
0x5f: {  	_ =	shalt  }
0x60: {  	_ =	shalt  }
0x61: {  	_ =	shalt  }
0x62: {  	_ =	shalt  }
0x63: {  	_ =	shalt  }
0x64: {  	_ =	shalt  }
0x65: {  	_ =	shalt  }
0x66: {  	_ =	shalt  }
0x67: {  	_ =	shalt  }
0x68: {  	_ =	shalt  }
0x69: {  	_ =	shalt  }
0x6a: {  	_ =	shalt  }
0x6b: {  	_ =	shalt  }
0x6c: {  	_ =	shalt  }
0x6d: {  	_ =	shalt  }
0x6e: {  	_ =	shalt  }
0x6f: {  	_ =	shalt  }
0x70: {  	_ =	shalt  }
0x71: {  	_ =	shalt  }
0x72: {  	_ =	shalt  }
0x73: {  	_ =	shalt  }
0x74: {  	_ =	shalt  }
0x75: {  	_ =	shalt  }
0x76: {  	_ =	shalt  }
0x77: {  	_ =	shalt  }
0x78: {  	_ =	shalt  }
0x79: {  	_ =	shalt  }
0x7a: {  	_ =	shalt  }
0x7b: {  	_ =	shalt  }
0x7c: {  	_ =	shalt  }
0x7d: {  	_ =	shalt  }
0x7e: {  	_ =	shalt  }
0x7f: {  	_ =	shalt  }
0x80: {  	_ =	shalt  }
0x81: {  	_ =	shalt  }
0x82: {  	_ =	shalt  }
0x83: {  	_ =	shalt  }
0x84: {  	_ =	shalt  }
0x85: {  	_ =	shalt  }
0x86: {  	_ =	shalt  }
0x87: {  	_ =	shalt  }
.Lfunc_end0:
.L_simem_size_0:
called_computation_lowered:
.L_overlay_start_0:
0x88: {  	s2 =	sld [smem:$0x3FD9]  }
0x89: {  	s3 =	sld [smem:$0x3FFE];
	_ =	sdelay $0x1  }
0x8a: {  	s1 =	srdreg.scid  }
0x8b: {  	s0 =	sand.u32 $0x1, s1  }
0x8c: {  	s17 =	sshll.u32 s0, $0xA;
	s2 =	sadd.s32 s3, s2  }
0x8d: {  	s2 =	sadd.s32 s2, s17  }
0x8e: {  	[smem:$0x3FC6] =	sst s2  }
0x8f: {  	_ = 	snop  }
0x90: {  	s2 =	sld [smem:$0x3FC8];
	(tm) =	ssettm $0x1  }
0x91: {  	s18 =	sld [smem:$0x3FFB];
	_ =	sdelay $0x3  }
0x92: {  	_ =	strace s18  }
0x93: {  	s3 =	sld [smem:$0x3FFC];
	_ =	sdelay $0x3  }
0x94: {  	_ =	strace s3  }
0x95: {  	s3 =	sld [smem:$0x3FFD];
	_ =	sdelay $0x3  }
0x96: {  	_ =	strace s3  }
0x97: {  	_ =	strace $0x8FFFFFFF  }
0x98: {  	s19 =	sld [smem:$0x3FDB];
	_ =	sdelay $0x1  }
0x99: {  	s4 =	simm.s32 $_scs_section_size  }
0x9a: {  	s5 =	simm.s32 $_size__tile_overlayer_lowered;
	s6 =	simm.s32 $_tile_overlayer_lowered  }
0x9b: {  	s22 =	simm.s32 $0x1BFF;
	s21 =	sshll.u32 s6, $0x1;
	s3 =	sadd.s32 s4, s19  }
0x9c: {  	s7 =	simm.s32 $0x0;
	s20 =	sshll.u32 s5, $0x1;
	s5 =	sadd.s32 s21, s3  }
0x9d: {  	[timem:s7], [sflag:s22] =	dma.local [hbm:s5], s20  }
0x9e: {  	_ =	swait.ge [sflag:s22], s20  }
0x9f: {  	s4 =	ssub.s32 $0x0, s20;
	[sflag:s22] =	ssyncset.done $0x0  }
0xa0: {  	[sflag:s22] =	ssyncadd.s32 s4;
	_ =	sdelay $0x1  }
0xa1: {  	s23 =	simm.s32 $0x1B8B  }
0xa2: {  	_ =	swait.ge [sflag:s23], $0x1  }
0xa3: {  	[sflag:s23] =	ssyncset.done $0x0  }
0xa4: {  	s25 =	simm.s32 $0x1B8E;
	s24 =	sld [smem:$0x3FFE];
	[sflag:s23] =	ssyncadd.s32 $0xFFFFFFFF  }
0xa5: {  	s26 =	simm.s32 $execute0_lowered;
	[smem:$0x3FD2] =	sst s25  }
0xa6: {  	s5 =	sshll.u32 s26, $0x1;
	_ =	strace $0x80000046;
	[dreg:$0x1] =	wrdreg $0xFFFFFFFF  }
0xa7: {  	s28 =	simm.s32 $_size_execute0_lowered;
	s3 =	sadd.s32 s3, s5;
	[dreg:$0x0] =	wrdreg $0x0  }
0xa8: {  	s5 =	sshll.u32 s28, $0x1;
	[dreg:$0x2] =	wrdreg s3  }
0xa9: {  	[dreg:$0x3] =	wrdreg s5  }
0xaa: {  	[dreg:$0x4] =	wrdreg $0xC0  }
0xab: {  	_ =	task [dreg:s7], $0x5FFFF  }
0xac: {  	[dreg:$0x1] =	wrdreg $0xFFFFFFFF  }
0xad: {  	[dreg:$0x0] =	wrdreg $0x60  }
0xae: {  	[dreg:$0x2] =	wrdreg s2  }
0xaf: {  	[dreg:$0x3] =	wrdreg s24  }
0xb0: {  	[dreg:$0x4] =	wrdreg $0x9  }
0xb1: {  	_ =	task.clear_ibuf [dreg:s7], $0x5FFFF;
	_ =	strace $0x90000046  }
0xb2: {  	s29 =	simm.s32 $0x9;
	_ =	strace $0x80000048  }
0xb3: {  	_ =	swait.ge [sflag:s29], $0x1  }
0xb4: {  	[sflag:s29] =	ssyncadd.s32 $0xFFFFFFFF  }
0xb5: {  	_ =	strace $0x90000048  }
0xb6: {  	_ =	sfence  }
0xb7: {  	s30 =	sld [smem:$0x0];
	_ =	sdelay $0x2  }
0xb8: {  	s31 =	sshll.u32 s1, $0xD;
	s1 =	sshrl.u32 s1, $0x2  }
0xb9: {  	s3 =	sand.u32 $0x4000, s31;
	s1 =	sadd.s32 s1, s30  }
0xba: {  	s0 =	sor.u32 s3, s0;
	s1 =	sshll.u32 s1, $0x11  }
0xbb: {  	s0 =	sor.u32 s1, s0  }
0xbc: {  	s0 =	sadd.s32 $0x8F2B, s0  }
0xbd: {  	[sflag:s0] =	ssyncadd.remote.s32 $0x1  }
0xbe: {  	_ =	sfence.sel $0xFFFF  }
0xbf: {  	[dreg:$0x0] =	wrdreg $0xFFFFFFFF;
	(pc) =	sbr.abs _section_cstart, $3  }
0xc0: {  	[dreg:$0x1] =	wrdreg $0xFFFFFFFF  }
0xc1: {  	_ =	task.clear_ibuf [dreg:s7], $0x2FFFF;
	_ =	strace $0x9FFFFFFF  }
0xc2: {  	(tm) =	ssettm $0x7FFFFFFF  }
0xc3: {  	_ =	shalt  }
tec
execute0_lowered:
.L_overlay_start_1:
0x0: {  	(tag) =	ssettag $0x1  }
0x1: {  	s3 =	rddreg [dreg:$0x0]  }
0x2: {  	s4 =	rddreg [dreg:$0x1];
	s1 =	srdreg.scid  }
0x3: {  	s0 =	rddreg [dreg:$0x2];
	s5 =	sand.u32 $0x1, s1  }
0x4: {  	s2 =	simm.s32 $0x0;
	s1 =	stileid.u32;
	s6 =	ssub.s32 $0x2, s5  }
0x5: {  	[smem:$0x7FF] =	sst s2;
	s8 =	sshll.u32 s1, $0x1;
	s7 =	sshrl.u32 s6, $0x1  }
0x6: {  	s31 =	sshll.u32 s1, $0xE;
	s5 =	sor.u32 s5, s8;
	s6 =	ssub.s32 s6, s7  }
0x7: {  	s7 =	sand.u32 $0x38000, s31;
	s8 =	sshll.u32 s5, $0xD;
	s5 =	smul.u32 $0x26, s5  }
0x8: {  	_ =	strace $0x80000047;
	s8 =	sand.u32 $0x6000, s8;
	s3 =	sadd.s32 s3, s7  }
0x9: {  	s7 =	simm.s32 $0x10000;
	s3 =	sadd.s32 s8, s3;
	s4 =	sadd.s32 s4, s5  }
0xa: {  	v0 =	vimm.f32 $0.0e+00;
	v1 =	vlaneseq.u32;
	v2 =	vimm.f32 $1.000000000e+00;
	s5 =	smax.u32 s6, $0x1;
	s6 =	simm.s32 $0x1;
	s8 =	simm.s32 $0x0  }
.LBB2_1:
0xb: {  	[tilespmem:$0x10000] =	vst v0  }
0xc: {  	[tilespmem:$0x10010] =	vst v0  }
0xd: {  	[tilespmem:$0x10020] =	vst v0  }
0xe: {  	[tilespmem:$0x10030] =	vst v0  }
0xf: {  	[tilespmem:$0x10040] =	vst v0  }
0x10: {  	[tilespmem:$0x10050] =	vst v0  }
0x11: {  	[tilespmem:$0x10060] =	vst v0  }
0x12: {  	[tilespmem:$0x10070] =	vst v0  }
0x13: {  	[tilespmem:$0x10080] =	vst v0  }
0x14: {  	[tilespmem:$0x10090] =	vst v0  }
0x15: {  	[tilespmem:$0x100A0] =	vst v0  }
0x16: {  	[tilespmem:$0x100B0] =	vst v0  }
0x17: {  	[tilespmem:$0x100C0] =	vst v0  }
0x18: {  	[tilespmem:$0x100D0] =	vst v0  }
0x19: {  	[tilespmem:$0x100E0] =	vst v0  }
0x1a: {  	[tilespmem:$0x100F0] =	vst v0  }
0x1b: {  	[tilespmem:$0x10100] =	vst v0  }
0x1c: {  	[tilespmem:$0x10110] =	vst v0  }
0x1d: {  	[tilespmem:$0x10120] =	vst v0  }
0x1e: {  	[tilespmem:s2], [sflag:$0x1] =	stream.linear.gather [hbm4b:s3+s2], $0x10000, $0x38;
	[tilespmem:$0x10180] =	vst v63  }
0x1f: {  	_ =	swait.ge [sflag:s6], $0x10000  }
0x20: {  	[sflag:s6] =	ssyncset.done $0x0  }
0x21: {  	s9 =	simm.s32 $0x0;
	s10 =	simm.s32 $0x0;
	[sflag:s6] =	ssyncadd.s32 $0xFFFF0000  }
.LBB2_2:
0x22: {  	s11 =	sand.u32 $0xF000, s10;
	s12 =	sand.u32 $0x380, s9  }
0x23: {  	s11 =	sor.u32 s12, s11  }
0x24: {  	v3 =	vld [tilespmem:s11+$0x0];
	_ =	sdelay $0x4  }
0x25: {  	v3 =	vshll.u32 v3, $0x4  }
0x26: {  	v3 =	vor.u32 v1, v3;
	_ =	sdelay $0x4  }
0x27: {  	[tilespmem:v3+s7+$0x0] =	vst.idx.add.f32.msk $0xffff, v2  }
0x28: {  	v3 =	vld [tilespmem:s11+$0x10];
	_ =	sdelay $0x4  }
0x29: {  	v3 =	vshll.u32 v3, $0x4  }
0x2a: {  	v3 =	vor.u32 v1, v3;
	_ =	sdelay $0x4  }
0x2b: {  	[tilespmem:v3+s7+$0x0] =	vst.idx.add.f32.msk $0xffff, v2  }
0x2c: {  	v3 =	vld [tilespmem:s11+$0x20];
	_ =	sdelay $0x4  }
0x2d: {  	v3 =	vshll.u32 v3, $0x4  }
0x2e: {  	v3 =	vor.u32 v1, v3;
	_ =	sdelay $0x4  }
0x2f: {  	[tilespmem:v3+s7+$0x0] =	vst.idx.add.f32.msk $0xffff, v2  }
0x30: {  	v3 =	vld [tilespmem:s11+$0x30];
	_ =	sdelay $0x4  }
0x31: {  	v3 =	vshll.u32 v3, $0x4  }
0x32: {  	v3 =	vor.u32 v1, v3;
	_ =	sdelay $0x4  }
0x33: {  	[tilespmem:v3+s7+$0x0] =	vst.idx.add.f32.msk $0xffff, v2  }
0x34: {  	v3 =	vld [tilespmem:s11+$0x40];
	_ =	sdelay $0x4  }
0x35: {  	v3 =	vshll.u32 v3, $0x4  }
0x36: {  	v3 =	vor.u32 v1, v3;
	_ =	sdelay $0x4  }
0x37: {  	[tilespmem:v3+s7+$0x0] =	vst.idx.add.f32.msk $0xffff, v2  }
0x38: {  	v3 =	vld [tilespmem:s11+$0x50];
	_ =	sdelay $0x4  }
0x39: {  	v3 =	vshll.u32 v3, $0x4  }
0x3a: {  	v3 =	vor.u32 v1, v3;
	_ =	sdelay $0x4  }
0x3b: {  	[tilespmem:v3+s7+$0x0] =	vst.idx.add.f32.msk $0xffff, v2  }
0x3c: {  	v3 =	vld [tilespmem:s11+$0x60];
	_ =	sdelay $0x4  }
0x3d: {  	v3 =	vshll.u32 v3, $0x4  }
0x3e: {  	v3 =	vor.u32 v1, v3;
	_ =	sdelay $0x4  }
0x3f: {  	[tilespmem:v3+s7+$0x0] =	vst.idx.add.f32.msk $0xffff, v2  }
0x40: {  	v3 =	vld [tilespmem:s11+$0x70];
	_ =	sdelay $0x4  }
0x41: {  	v3 =	vshll.u32 v3, $0x4  }
0x42: {  	v3 =	vor.u32 v1, v3;
	_ =	sdelay $0x4  }
0x43: {  	[tilespmem:v3+s7+$0x0] =	vst.idx.add.f32.msk $0xffff, v2  }
0x44: {  	v3 =	vld [tilespmem:s11+$0x400];
	_ =	sdelay $0x4  }
0x45: {  	v3 =	vshll.u32 v3, $0x4  }
0x46: {  	v3 =	vor.u32 v1, v3;
	_ =	sdelay $0x4  }
0x47: {  	[tilespmem:v3+s7+$0x0] =	vst.idx.add.f32.msk $0xffff, v2  }
0x48: {  	v3 =	vld [tilespmem:s11+$0x410];
	_ =	sdelay $0x4  }
0x49: {  	v3 =	vshll.u32 v3, $0x4  }
0x4a: {  	v3 =	vor.u32 v1, v3;
	_ =	sdelay $0x4  }
0x4b: {  	[tilespmem:v3+s7+$0x0] =	vst.idx.add.f32.msk $0xffff, v2  }
0x4c: {  	v3 =	vld [tilespmem:s11+$0x420];
	_ =	sdelay $0x4  }
0x4d: {  	v3 =	vshll.u32 v3, $0x4  }
0x4e: {  	v3 =	vor.u32 v1, v3;
	_ =	sdelay $0x4  }
0x4f: {  	[tilespmem:v3+s7+$0x0] =	vst.idx.add.f32.msk $0xffff, v2  }
0x50: {  	v3 =	vld [tilespmem:s11+$0x430];
	_ =	sdelay $0x4  }
0x51: {  	v3 =	vshll.u32 v3, $0x4  }
0x52: {  	v3 =	vor.u32 v1, v3;
	_ =	sdelay $0x4  }
0x53: {  	[tilespmem:v3+s7+$0x0] =	vst.idx.add.f32.msk $0xffff, v2  }
0x54: {  	v3 =	vld [tilespmem:s11+$0x440];
	_ =	sdelay $0x4  }
0x55: {  	v3 =	vshll.u32 v3, $0x4  }
0x56: {  	v3 =	vor.u32 v1, v3;
	_ =	sdelay $0x4  }
0x57: {  	[tilespmem:v3+s7+$0x0] =	vst.idx.add.f32.msk $0xffff, v2  }
0x58: {  	v3 =	vld [tilespmem:s11+$0x450];
	_ =	sdelay $0x4  }
0x59: {  	v3 =	vshll.u32 v3, $0x4  }
0x5a: {  	v3 =	vor.u32 v1, v3;
	_ =	sdelay $0x4  }
0x5b: {  	[tilespmem:v3+s7+$0x0] =	vst.idx.add.f32.msk $0xffff, v2  }
0x5c: {  	v3 =	vld [tilespmem:s11+$0x460];
	_ =	sdelay $0x4  }
0x5d: {  	v3 =	vshll.u32 v3, $0x4  }
0x5e: {  	v3 =	vor.u32 v1, v3;
	_ =	sdelay $0x4  }
0x5f: {  	[tilespmem:v3+s7+$0x0] =	vst.idx.add.f32.msk $0xffff, v2  }
0x60: {  	v3 =	vld [tilespmem:s11+$0x470];
	_ =	sdelay $0x4  }
0x61: {  	v3 =	vshll.u32 v3, $0x4  }
0x62: {  	v3 =	vor.u32 v1, v3;
	_ =	sdelay $0x4  }
0x63: {  	[tilespmem:v3+s7+$0x0] =	vst.idx.add.f32.msk $0xffff, v2  }
0x64: {  	v3 =	vld [tilespmem:s11+$0x800];
	_ =	sdelay $0x4  }
0x65: {  	v3 =	vshll.u32 v3, $0x4  }
0x66: {  	v3 =	vor.u32 v1, v3;
	_ =	sdelay $0x4  }
0x67: {  	[tilespmem:v3+s7+$0x0] =	vst.idx.add.f32.msk $0xffff, v2  }
0x68: {  	v3 =	vld [tilespmem:s11+$0x810];
	_ =	sdelay $0x4  }
0x69: {  	v3 =	vshll.u32 v3, $0x4  }
0x6a: {  	v3 =	vor.u32 v1, v3;
	_ =	sdelay $0x4  }
0x6b: {  	[tilespmem:v3+s7+$0x0] =	vst.idx.add.f32.msk $0xffff, v2  }
0x6c: {  	v3 =	vld [tilespmem:s11+$0x820];
	_ =	sdelay $0x4  }
0x6d: {  	v3 =	vshll.u32 v3, $0x4  }
0x6e: {  	v3 =	vor.u32 v1, v3;
	_ =	sdelay $0x4  }
0x6f: {  	[tilespmem:v3+s7+$0x0] =	vst.idx.add.f32.msk $0xffff, v2  }
0x70: {  	v3 =	vld [tilespmem:s11+$0x830];
	_ =	sdelay $0x4  }
0x71: {  	v3 =	vshll.u32 v3, $0x4  }
0x72: {  	v3 =	vor.u32 v1, v3;
	_ =	sdelay $0x4  }
0x73: {  	[tilespmem:v3+s7+$0x0] =	vst.idx.add.f32.msk $0xffff, v2  }
0x74: {  	v3 =	vld [tilespmem:s11+$0x840];
	_ =	sdelay $0x4  }
0x75: {  	v3 =	vshll.u32 v3, $0x4  }
0x76: {  	v3 =	vor.u32 v1, v3;
	_ =	sdelay $0x4  }
0x77: {  	[tilespmem:v3+s7+$0x0] =	vst.idx.add.f32.msk $0xffff, v2  }
0x78: {  	v3 =	vld [tilespmem:s11+$0x850];
	_ =	sdelay $0x4  }
0x79: {  	v3 =	vshll.u32 v3, $0x4  }
0x7a: {  	v3 =	vor.u32 v1, v3;
	_ =	sdelay $0x4  }
0x7b: {  	[tilespmem:v3+s7+$0x0] =	vst.idx.add.f32.msk $0xffff, v2  }
0x7c: {  	v3 =	vld [tilespmem:s11+$0x860];
	_ =	sdelay $0x4  }
0x7d: {  	v3 =	vshll.u32 v3, $0x4  }
0x7e: {  	v3 =	vor.u32 v1, v3;
	_ =	sdelay $0x4  }
0x7f: {  	[tilespmem:v3+s7+$0x0] =	vst.idx.add.f32.msk $0xffff, v2  }
0x80: {  	v3 =	vld [tilespmem:s11+$0x870];
	_ =	sdelay $0x4  }
0x81: {  	v3 =	vshll.u32 v3, $0x4  }
0x82: {  	v3 =	vor.u32 v1, v3;
	_ =	sdelay $0x4  }
0x83: {  	[tilespmem:v3+s7+$0x0] =	vst.idx.add.f32.msk $0xffff, v2  }
0x84: {  	v3 =	vld [tilespmem:s11+$0xC00];
	_ =	sdelay $0x4  }
0x85: {  	v3 =	vshll.u32 v3, $0x4  }
0x86: {  	v3 =	vor.u32 v1, v3;
	_ =	sdelay $0x4  }
0x87: {  	[tilespmem:v3+s7+$0x0] =	vst.idx.add.f32.msk $0xffff, v2  }
0x88: {  	v3 =	vld [tilespmem:s11+$0xC10];
	_ =	sdelay $0x4  }
0x89: {  	v3 =	vshll.u32 v3, $0x4  }
0x8a: {  	v3 =	vor.u32 v1, v3;
	_ =	sdelay $0x4  }
0x8b: {  	[tilespmem:v3+s7+$0x0] =	vst.idx.add.f32.msk $0xffff, v2  }
0x8c: {  	v3 =	vld [tilespmem:s11+$0xC20];
	_ =	sdelay $0x4  }
0x8d: {  	v3 =	vshll.u32 v3, $0x4  }
0x8e: {  	v3 =	vor.u32 v1, v3;
	_ =	sdelay $0x4  }
0x8f: {  	[tilespmem:v3+s7+$0x0] =	vst.idx.add.f32.msk $0xffff, v2  }
0x90: {  	v3 =	vld [tilespmem:s11+$0xC30];
	_ =	sdelay $0x4  }
0x91: {  	v3 =	vshll.u32 v3, $0x4  }
0x92: {  	v3 =	vor.u32 v1, v3;
	_ =	sdelay $0x4  }
0x93: {  	[tilespmem:v3+s7+$0x0] =	vst.idx.add.f32.msk $0xffff, v2  }
0x94: {  	v3 =	vld [tilespmem:s11+$0xC40];
	_ =	sdelay $0x4  }
0x95: {  	v3 =	vshll.u32 v3, $0x4  }
0x96: {  	v3 =	vor.u32 v1, v3;
	_ =	sdelay $0x4  }
0x97: {  	[tilespmem:v3+s7+$0x0] =	vst.idx.add.f32.msk $0xffff, v2  }
0x98: {  	v3 =	vld [tilespmem:s11+$0xC50];
	_ =	sdelay $0x4  }
0x99: {  	v3 =	vshll.u32 v3, $0x4  }
0x9a: {  	v3 =	vor.u32 v1, v3;
	_ =	sdelay $0x4  }
0x9b: {  	[tilespmem:v3+s7+$0x0] =	vst.idx.add.f32.msk $0xffff, v2  }
0x9c: {  	v3 =	vld [tilespmem:s11+$0xC60];
	_ =	sdelay $0x4  }
0x9d: {  	v3 =	vshll.u32 v3, $0x4  }
0x9e: {  	v3 =	vor.u32 v1, v3;
	_ =	sdelay $0x4  }
0x9f: {  	[tilespmem:v3+s7+$0x0] =	vst.idx.add.f32.msk $0xffff, v2  }
0xa0: {  	v3 =	vld [tilespmem:s11+$0xC70];
	_ =	sdelay $0x4  }
0xa1: {  	v3 =	vshll.u32 v3, $0x4  }
0xa2: {  	p0 =	sne.s32 s10, $0xFE00;
	v3 =	vor.u32 v1, v3  }
.Ltmp0:
0xa3: {  	_ = 	snop;
	(pc) =	sbr.rel @p0 .LBB2_2-.Ltmp0, $2  }
0xa4: {  	_ =	sdelay $0x2  }
0xa5: {  	s9 =	sadd.s32 $0x80, s9;
	s10 =	sadd.s32 $0x200, s10;
	[tilespmem:v3+s7+$0x0] =	vst.idx.add.f32.msk $0xffff, v2  }
0xa6: {  	s8 =	sadd.s32 $0x1, s8  }
0xa7: {  	p0 =	sne.s32 s8, s5  }
.Ltmp1:
0xa8: {  	_ = 	snop;
	(pc) =	sbr.rel @p0 .LBB2_1-.Ltmp1, $4  }
0xa9: {  	[hbm4b:s4+s2] =	stream.linear.scatter [tilespmem:s7], [sflag:$0x1], $0x130, $0x38;
	[tilespmem:$0x10180] =	vst v63  }
0xaa: {  	_ =	swait.ge [sflag:s6], $0x130  }
0xab: {  	[sflag:s6] =	ssyncset.done $0x0  }
0xac: {  	[sflag:s6] =	ssyncadd.s32 $0xFFFFFED0  }
0xad: {  	_ =	sfence.sel $0x180000  }
0xae: {  	[bflag:$0x0] =	sbarrier.arrive $0xFFFF  }
0xaf: {  	p0 =	sne.s32 s1, $0x0;
	_ =	strace $0x90000047  }
0xb0: {  	s0 =	sadd.s32 @!p0 $0x100000, s0;
	[bflag:$0x2] =	sbarrier.arrive $0xFFFF  }
0xb1: {  	[sflag:s0] =	ssyncadd.tile.s32 @!p0 $0x1;
	_ =	shalt  }
.Lfunc_end2:
_tile_overlayer_lowered:
.L_overlay_start_2:
0xb2: {  	(tag) =	ssettag $0x2  }
0xb3: {  	s0 =	rddreg [dreg:$0x0];
	s2 =	stileid.u32  }
0xb4: {  	s1 =	rddreg [dreg:$0x1];
	p0 =	sne.s32 s2, $0x0  }
0xb5: {  	s3 =	rddreg [dreg:$0x2];
	[bflag:$0x3] =	sbarrier.arrive $0xFFFF;
	s2 =	simm.s32 @!p0 $0x1C01  }
0xb6: {  	[timem:s3], [sflag:s2] =	dma.local @!p0 [hbm:s0], s1  }
0xb7: {  	s0 =	simm.s32 @!p0 $0x1  }
0xb8: {  	_ =	swait.ge @!p0 [sflag:s0], s1  }
0xb9: {  	s1 =	ssub.s32 @!p0 $0x0, s1;
	[sflag:s0] =	ssyncset.done @!p0 $0x0  }
0xba: {  	[sflag:s0] =	ssyncadd.s32 @!p0 s1  }
0xbb: {  	[bflag:$0x3] =	sbarrier.arrive $0xFFFF  }
0xbc: {  	_ =	shalt  }

</sc_bundles>
